<compile_context>
chip_gen: v7x
topology: tpu7x:2x2x1
jax: 0.10.2.dev20260603
libtpu: 0.0.44.dev20260713+nightly
codegen_flags: <defaults>
</compile_context>

<pallas_src>
import functools

import jax
import jax.numpy as jnp
from jax import lax
from jax.experimental import pallas as pl
from jax.experimental.pallas import tpu as pltpu
from jax.experimental.pallas import tpu_sc as plsc

_D = 32
_K = 8192
_TN = 1024


def _argmin_tile_kernel(x_ref, cb2_ref, lane_ref, idx_ref):
    x = jnp.transpose(x_ref[0])
    cb2 = cb2_ref[...]
    a = jnp.sum(x * x, axis=1, keepdims=True)
    c = 0.25 * jnp.sum(cb2 * cb2, axis=0, keepdims=True)
    b = jnp.dot(x, cb2, preferred_element_type=jnp.float32)
    d = (a + b) + c
    mv = jnp.min(d, axis=1, keepdims=True)
    lane = lane_ref[...]
    im = None
    for j in range(_K // 128):
        sl = slice(j * 128, (j + 1) * 128)
        masked = jnp.where(d[:, sl] == mv, lane + float(j * 128),
                           float(_K))
        im = masked if im is None else jnp.minimum(im, masked)
    idxf = jnp.min(im, axis=1)
    idx_ref[0, 0, :] = idxf.astype(jnp.int32)


def _argmin_flat(enc3, cb2, lanes, b0, nb):
    hw = enc3.shape[2]
    n = nb * hw
    blocks_per_b = hw // _TN
    grid = (n // _TN,)
    idx3 = pl.pallas_call(
        _argmin_tile_kernel,
        grid=grid,
        in_specs=[
            pl.BlockSpec((1, _D, _TN),
                         lambda i: (b0 + i // blocks_per_b, 0,
                                    i % blocks_per_b)),
            pl.BlockSpec((_D, _K), lambda i: (0, 0)),
            pl.BlockSpec((1, 128), lambda i: (0, 0)),
        ],
        out_specs=pl.BlockSpec((1, 1, _TN), lambda i: (i, 0, 0)),
        out_shape=jax.ShapeDtypeStruct((n // _TN, 1, _TN), jnp.int32),
        compiler_params=pltpu.CompilerParams(
            dimension_semantics=("arbitrary",),
        ),
    )(enc3, cb2, lanes)
    return idx3.reshape(n)


def _gather_rows(table128, idx):
    n = idx.shape[0]
    info = plsc.get_sparse_core_info()
    nw = info.num_cores * info.num_subcores
    b_per_w = n // nw
    mesh = plsc.VectorSubcoreMesh(core_axis_name="c", subcore_axis_name="s")

    @functools.partial(
        pl.kernel,
        out_type=jax.ShapeDtypeStruct((n, 128), jnp.float32),
        mesh=mesh,
        scratch_types=[
            pltpu.VMEM((b_per_w,), jnp.int32),
            pltpu.VMEM((b_per_w, 128), jnp.float32),
            pltpu.SemaphoreType.DMA,
        ],
    )
    def gather_kernel(table_hbm, idx_hbm, out_hbm, idx_v, rows_v, sem):
        wid = lax.axis_index("s") * info.num_cores + lax.axis_index("c")
        base = wid * b_per_w
        pltpu.sync_copy(idx_hbm.at[pl.ds(base, b_per_w)], idx_v)
        pltpu.async_copy(table_hbm.at[idx_v], rows_v, sem).wait()
        pltpu.sync_copy(rows_v, out_hbm.at[pl.ds(base, b_per_w)])

    return gather_kernel(table128, idx)[:, :_D]


def kernel(encodings, codebook):
    b_, d_, h_, w_ = encodings.shape
    enc3 = encodings.reshape(b_, d_, h_ * w_)
    cb2 = -2.0 * codebook
    table = codebook.T.astype(jnp.bfloat16).astype(jnp.float32)
    table128 = jnp.pad(table, ((0, 0), (0, 128 - _D)))
    lanes = jnp.arange(128, dtype=jnp.float32).reshape(1, 128)
    halves = []
    hb = b_ // 2
    for b0 in (0, hb):
        idx = _argmin_flat(enc3, cb2, lanes, b0, hb)
        out = _gather_rows(table128, idx)
        halves.append(
            jnp.transpose(out.reshape(hb, h_, w_, d_), (0, 3, 1, 2)))
    return jnp.concatenate(halves, axis=0)

# --- scband reference (transcript-rebuilt; emitter-appended) ---
"""Pipeline reference for scband-vanilla-vector-quantizer-58411555225657 (READ-ONLY COPY).

The authoritative reference and input builder live on the scoring server;
editing this copy changes nothing except your own understanding.
"""

import jax, jax.numpy as jnp
import numpy as np

D = 32
K = 8192


def setup_inputs(seed: int = 0) -> dict:
    key = jax.random.key(seed)
    k1, k2 = jax.random.split(key)
    encodings = jax.random.normal(k1, (8, 32, 32, 32), dtype=jnp.float32)
    codebook = jax.random.uniform(k2, (D, K), dtype=jnp.float32, minval=-1.0 / K, maxval=1.0 / K)
    return {"encodings": encodings, "codebook": codebook}


def reference(encodings, codebook):
    # permute channel dim (dim 1) to last: [B, D, H, W] -> [B, H, W, D]
    x = jnp.transpose(encodings, (0, 2, 3, 1))
    shape_encodings = x.shape
    flat = x.reshape(-1, D)
    # squared L2 distances: ||x||^2 - 2 x@e + ||e||^2
    sqrd_norm_inputs = jnp.sum(flat ** 2, axis=1, keepdims=True)
    sqrd_norm_embeddings = jnp.sum(codebook ** 2, axis=0, keepdims=True)
    dot_inputs_embeddings = flat @ codebook
    distances = sqrd_norm_inputs - 2.0 * dot_inputs_embeddings + sqrd_norm_embeddings
    embedding_ids = jnp.argmin(distances, axis=1)
    one_hot = jax.nn.one_hot(embedding_ids, K, dtype=jnp.float32)
    embeddings = one_hot @ codebook.T
    embeddings = embeddings.reshape(shape_encodings)
    # reverse permutation: [B, H, W, D] -> [B, D, H, W]
    out = jnp.transpose(embeddings, (0, 3, 1, 2))
    return out

if __name__ == "__main__":
    import jax
    _d = setup_inputs()
    print(jax.jit(kernel)(*tuple(_d.values())))

</pallas_src>

<mosaic_0001>
#map = affine_map<(d0, d1) -> (0, 0)>
#map1 = affine_map<(d0, d1) -> (0)>
module attributes {stable_mosaic.version = 14 : i64} {
  func.func @gather_kernel(%arg0: i32, %arg1: i32, %arg2: memref<8192x128xf32, #tpu.memory_space<hbm>>, %arg3: memref<4096xi32, #tpu.memory_space<hbm>>, %arg4: memref<4096x128xf32, #tpu.memory_space<hbm>>, %arg5: memref<128xi32, #tpu.memory_space<vmem>>, %arg6: memref<128x128xf32, #tpu.memory_space<vmem>>, %arg7: memref<!tpu.dma_semaphore, #tpu.memory_space<semaphore_mem>>) attributes {dimension_semantics = [#tpu.dimension_semantics<core_parallel>, #tpu.dimension_semantics<subcore_parallel>], iteration_bounds = array<i64: 2, 16>, scalar_prefetch = 0 : i64, scratch_operands = 3 : i64, tpu.core_type = #tpu.core_type<sc_vector_subcore>, window_params = [{transform_indices = #map}, {transform_indices = #map1}, {transform_indices = #map}]} {
    %mul3A = arith.constant 2 : i32
    %mul3A_0 = arith.muli %arg1, %mul3A : i32
    %add3A = arith.addi %mul3A_0, %arg0 : i32
    %mul3A_1 = arith.constant 128 : i32
    %mul3A_2 = arith.muli %add3A, %mul3A_1 : i32
    "tpu.region"() ({
      %run_scoped3A = tpu.sem_alloc : memref<!tpu.dma_semaphore, #tpu.memory_space<semaphore_mem>>
      %dma_start3A_7 = tpu.memref_slice %arg3[%mul3A_2] : memref<4096xi32, #tpu.memory_space<hbm>> -> memref<128xi32, #tpu.memory_space<hbm>>
      %dma_start3A_8 = tpu.memref_slice %arg3[%mul3A_2] : memref<4096xi32, #tpu.memory_space<hbm>> -> memref<128xi32, #tpu.memory_space<hbm>>
      tpu.enqueue_dma source(%dma_start3A_8 : memref<128xi32, #tpu.memory_space<hbm>>) target(%arg5 : memref<128xi32, #tpu.memory_space<vmem>>) target_semaphore(%run_scoped3A : memref<!tpu.dma_semaphore, #tpu.memory_space<semaphore_mem>>)
      %dma_wait3A_9 = tpu.memref_slice %arg3[%mul3A_2] : memref<4096xi32, #tpu.memory_space<hbm>> -> memref<128xi32, #tpu.memory_space<hbm>>
      %dma_wait3A_10 = tpu.memref_slice %arg3[%mul3A_2] : memref<4096xi32, #tpu.memory_space<hbm>> -> memref<128xi32, #tpu.memory_space<hbm>>
      tpu.wait_dma2 semaphore(%run_scoped3A : memref<!tpu.dma_semaphore, #tpu.memory_space<semaphore_mem>>) src(%dma_wait3A_10 : memref<128xi32, #tpu.memory_space<hbm>>) dst(%arg5 : memref<128xi32, #tpu.memory_space<vmem>>)
      tpu.yield
    }) : () -> ()
    %dma_start3A = arith.constant 0 : i32
    %dma_start3A_3 = arith.constant 0 : i32
    %dma_start3A_4 = tpu.memref_slice %arg2[%dma_start3A, %dma_start3A_3] : memref<8192x128xf32, #tpu.memory_space<hbm>> -> memref<8192x128xf32, #tpu.memory_space<hbm>>
    tpu.enqueue_indirect_dma source(%dma_start3A_4 : memref<8192x128xf32, #tpu.memory_space<hbm>>) target(%arg6 : memref<128x128xf32, #tpu.memory_space<vmem>>) offsets(%arg5 : memref<128xi32, #tpu.memory_space<vmem>>) semaphore(%arg7 : memref<!tpu.dma_semaphore, #tpu.memory_space<semaphore_mem>>)
    %dma_wait3A = arith.constant 0 : i32
    %dma_wait3A_5 = arith.constant 0 : i32
    %dma_wait3A_6 = tpu.memref_slice %arg2[%dma_wait3A, %dma_wait3A_5] : memref<8192x128xf32, #tpu.memory_space<hbm>> -> memref<8192x128xf32, #tpu.memory_space<hbm>>
    tpu.wait_indirect_dma semaphore(%arg7 : memref<!tpu.dma_semaphore, #tpu.memory_space<semaphore_mem>>) src(%dma_wait3A_6 : memref<8192x128xf32, #tpu.memory_space<hbm>>) dst(%arg6 : memref<128x128xf32, #tpu.memory_space<vmem>>)
    "tpu.region"() ({
      %run_scoped3A = tpu.sem_alloc : memref<!tpu.dma_semaphore, #tpu.memory_space<semaphore_mem>>
      %dma_start3A_7 = arith.constant 0 : i32
      %dma_start3A_8 = tpu.memref_slice %arg4[%mul3A_2, %dma_start3A_7] : memref<4096x128xf32, #tpu.memory_space<hbm>> -> memref<128x128xf32, #tpu.memory_space<hbm>>
      %dma_start3A_9 = arith.constant 0 : i32
      %dma_start3A_10 = tpu.memref_slice %arg4[%mul3A_2, %dma_start3A_9] : memref<4096x128xf32, #tpu.memory_space<hbm>> -> memref<128x128xf32, #tpu.memory_space<hbm>>
      tpu.enqueue_dma source(%arg6 : memref<128x128xf32, #tpu.memory_space<vmem>>) target(%dma_start3A_10 : memref<128x128xf32, #tpu.memory_space<hbm>>) target_semaphore(%run_scoped3A : memref<!tpu.dma_semaphore, #tpu.memory_space<semaphore_mem>>)
      %dma_wait3A_11 = arith.constant 0 : i32
      %dma_wait3A_12 = tpu.memref_slice %arg4[%mul3A_2, %dma_wait3A_11] : memref<4096x128xf32, #tpu.memory_space<hbm>> -> memref<128x128xf32, #tpu.memory_space<hbm>>
      %dma_wait3A_13 = arith.constant 0 : i32
      %dma_wait3A_14 = tpu.memref_slice %arg4[%mul3A_2, %dma_wait3A_13] : memref<4096x128xf32, #tpu.memory_space<hbm>> -> memref<128x128xf32, #tpu.memory_space<hbm>>
      tpu.wait_dma2 semaphore(%run_scoped3A : memref<!tpu.dma_semaphore, #tpu.memory_space<semaphore_mem>>) src(%arg6 : memref<128x128xf32, #tpu.memory_space<vmem>>) dst(%dma_wait3A_14 : memref<128x128xf32, #tpu.memory_space<hbm>>)
      tpu.yield
    }) : () -> ()
    return
  }
}

#map = affine_map<(d0, d1) -> (0, 0)>
#map1 = affine_map<(d0, d1) -> (0)>
module attributes {stable_mosaic.version = 14 : i64} {
  func.func @gather_kernel(%arg0: i32, %arg1: i32, %arg2: memref<8192x128xf32, #tpu.memory_space<hbm>>, %arg3: memref<4096xi32, #tpu.memory_space<hbm>>, %arg4: memref<4096x128xf32, #tpu.memory_space<hbm>>, %arg5: memref<128xi32, #tpu.memory_space<vmem>>, %arg6: memref<128x128xf32, #tpu.memory_space<vmem>>, %arg7: memref<!tpu.dma_semaphore, #tpu.memory_space<semaphore_mem>>) attributes {dimension_semantics = [#tpu.dimension_semantics<core_parallel>, #tpu.dimension_semantics<subcore_parallel>], iteration_bounds = array<i64: 2, 16>, scalar_prefetch = 0 : i64, scratch_operands = 3 : i64, tpu.core_type = #tpu.core_type<sc_vector_subcore>, window_params = [{transform_indices = #map}, {transform_indices = #map1}, {transform_indices = #map}]} {
    %mul3A = arith.constant 2 : i32
    %mul3A_0 = arith.muli %arg1, %mul3A : i32
    %add3A = arith.addi %mul3A_0, %arg0 : i32
    %mul3A_1 = arith.constant 128 : i32
    %mul3A_2 = arith.muli %add3A, %mul3A_1 : i32
    "tpu.region"() ({
      %run_scoped3A = tpu.sem_alloc : memref<!tpu.dma_semaphore, #tpu.memory_space<semaphore_mem>>
      %dma_start3A_7 = tpu.memref_slice %arg3[%mul3A_2] : memref<4096xi32, #tpu.memory_space<hbm>> -> memref<128xi32, #tpu.memory_space<hbm>>
      %dma_start3A_8 = tpu.memref_slice %arg3[%mul3A_2] : memref<4096xi32, #tpu.memory_space<hbm>> -> memref<128xi32, #tpu.memory_space<hbm>>
      tpu.enqueue_dma source(%dma_start3A_8 : memref<128xi32, #tpu.memory_space<hbm>>) target(%arg5 : memref<128xi32, #tpu.memory_space<vmem>>) target_semaphore(%run_scoped3A : memref<!tpu.dma_semaphore, #tpu.memory_space<semaphore_mem>>)
      %dma_wait3A_9 = tpu.memref_slice %arg3[%mul3A_2] : memref<4096xi32, #tpu.memory_space<hbm>> -> memref<128xi32, #tpu.memory_space<hbm>>
      %dma_wait3A_10 = tpu.memref_slice %arg3[%mul3A_2] : memref<4096xi32, #tpu.memory_space<hbm>> -> memref<128xi32, #tpu.memory_space<hbm>>
      tpu.wait_dma2 semaphore(%run_scoped3A : memref<!tpu.dma_semaphore, #tpu.memory_space<semaphore_mem>>) src(%dma_wait3A_10 : memref<128xi32, #tpu.memory_space<hbm>>) dst(%arg5 : memref<128xi32, #tpu.memory_space<vmem>>)
      tpu.yield
    }) : () -> ()
    %dma_start3A = arith.constant 0 : i32
    %dma_start3A_3 = arith.constant 0 : i32
    %dma_start3A_4 = tpu.memref_slice %arg2[%dma_start3A, %dma_start3A_3] : memref<8192x128xf32, #tpu.memory_space<hbm>> -> memref<8192x128xf32, #tpu.memory_space<hbm>>
    tpu.enqueue_indirect_dma source(%dma_start3A_4 : memref<8192x128xf32, #tpu.memory_space<hbm>>) target(%arg6 : memref<128x128xf32, #tpu.memory_space<vmem>>) offsets(%arg5 : memref<128xi32, #tpu.memory_space<vmem>>) semaphore(%arg7 : memref<!tpu.dma_semaphore, #tpu.memory_space<semaphore_mem>>)
    %dma_wait3A = arith.constant 0 : i32
    %dma_wait3A_5 = arith.constant 0 : i32
    %dma_wait3A_6 = tpu.memref_slice %arg2[%dma_wait3A, %dma_wait3A_5] : memref<8192x128xf32, #tpu.memory_space<hbm>> -> memref<8192x128xf32, #tpu.memory_space<hbm>>
    tpu.wait_indirect_dma semaphore(%arg7 : memref<!tpu.dma_semaphore, #tpu.memory_space<semaphore_mem>>) src(%dma_wait3A_6 : memref<8192x128xf32, #tpu.memory_space<hbm>>) dst(%arg6 : memref<128x128xf32, #tpu.memory_space<vmem>>)
    "tpu.region"() ({
      %run_scoped3A = tpu.sem_alloc : memref<!tpu.dma_semaphore, #tpu.memory_space<semaphore_mem>>
      %dma_start3A_7 = arith.constant 0 : i32
      %dma_start3A_8 = tpu.memref_slice %arg4[%mul3A_2, %dma_start3A_7] : memref<4096x128xf32, #tpu.memory_space<hbm>> -> memref<128x128xf32, #tpu.memory_space<hbm>>
      %dma_start3A_9 = arith.constant 0 : i32
      %dma_start3A_10 = tpu.memref_slice %arg4[%mul3A_2, %dma_start3A_9] : memref<4096x128xf32, #tpu.memory_space<hbm>> -> memref<128x128xf32, #tpu.memory_space<hbm>>
      tpu.enqueue_dma source(%arg6 : memref<128x128xf32, #tpu.memory_space<vmem>>) target(%dma_start3A_10 : memref<128x128xf32, #tpu.memory_space<hbm>>) target_semaphore(%run_scoped3A : memref<!tpu.dma_semaphore, #tpu.memory_space<semaphore_mem>>)
      %dma_wait3A_11 = arith.constant 0 : i32
      %dma_wait3A_12 = tpu.memref_slice %arg4[%mul3A_2, %dma_wait3A_11] : memref<4096x128xf32, #tpu.memory_space<hbm>> -> memref<128x128xf32, #tpu.memory_space<hbm>>
      %dma_wait3A_13 = arith.constant 0 : i32
      %dma_wait3A_14 = tpu.memref_slice %arg4[%mul3A_2, %dma_wait3A_13] : memref<4096x128xf32, #tpu.memory_space<hbm>> -> memref<128x128xf32, #tpu.memory_space<hbm>>
      tpu.wait_dma2 semaphore(%run_scoped3A : memref<!tpu.dma_semaphore, #tpu.memory_space<semaphore_mem>>) src(%arg6 : memref<128x128xf32, #tpu.memory_space<vmem>>) dst(%dma_wait3A_14 : memref<128x128xf32, #tpu.memory_space<hbm>>)
      tpu.yield
    }) : () -> ()
    return
  }
}

module attributes {stable_mosaic.version = 14 : i64} {
  func.func @_argmin_tile_kernel(%arg0: i32, %arg1: memref<1x32x1024xf32, #tpu.memory_space<vmem>>, %arg2: memref<32x8192xf32, #tpu.memory_space<vmem>>, %arg3: memref<1x128xf32, #tpu.memory_space<vmem>>, %arg4: memref<1x1x1024xi32, #tpu.memory_space<vmem>>) attributes {dimension_semantics = [#tpu.dimension_semantics<arbitrary>], iteration_bounds = array<i64: 4>, scalar_prefetch = 0 : i64, scratch_operands = 0 : i64, tpu.core_type = #tpu.core_type<tc>, window_params = [{transform_indices = @transform_0, window_bounds = array<i64: 1, 32, 1024>}, {pipeline_mode = #tpu.pipeline_mode<synchronous>, transform_indices = @transform_1, window_bounds = array<i64: 32, 8192>}, {pipeline_mode = #tpu.pipeline_mode<synchronous>, transform_indices = @transform_2, window_bounds = array<i64: 1, 128>}, {transform_indices = @transform_3, window_bounds = array<i64: 1, 1, 1024>}]} {
    %get3A = arith.constant 0 : index
    %get3A_0 = arith.constant 0 : index
    %get3A_1 = arith.constant 0 : index
    %get3A_2 = vector.load %arg1[%get3A, %get3A_0, %get3A_1] : memref<1x32x1024xf32, #tpu.memory_space<vmem>>, vector<1x32x1024xf32>
    %get3A_3 = vector.shape_cast %get3A_2 : vector<1x32x1024xf32> to vector<32x1024xf32>
    %transpose3A = tpu.transpose %get3A_3, [1, 0] : vector<32x1024xf32> -> vector<1024x32xf32>
    %get3A_4 = arith.constant 0 : index
    %get3A_5 = arith.constant 0 : index
    %get3A_6 = vector.load %arg2[%get3A_4, %get3A_5] : memref<32x8192xf32, #tpu.memory_space<vmem>>, vector<32x8192xf32>
    %mul3A = arith.mulf %transpose3A, %transpose3A : vector<1024x32xf32>
    %reduce_sum3A = arith.constant dense<0.000000e+00> : vector<1024xf32>
    %reduce_sum3A_7 = vector.multi_reduction <add>, %mul3A, %reduce_sum3A [1] : vector<1024x32xf32> to vector<1024xf32>
    %broadcast_in_dim3A = vector.shape_cast %reduce_sum3A_7 : vector<1024xf32> to vector<1024x1xf32>
    %mul3A_8 = arith.mulf %get3A_6, %get3A_6 : vector<32x8192xf32>
    %reduce_sum3A_9 = arith.constant dense<0.000000e+00> : vector<8192xf32>
    %reduce_sum3A_10 = vector.multi_reduction <add>, %mul3A_8, %reduce_sum3A_9 [0] : vector<32x8192xf32> to vector<8192xf32>
    %broadcast_in_dim3A_11 = vector.shape_cast %reduce_sum3A_10 : vector<8192xf32> to vector<1x8192xf32>
    %mul3A_12 = arith.constant 2.500000e-01 : f32
    %mul3A_13 = vector.broadcast %mul3A_12 : f32 to vector<1x8192xf32>
    %mul3A_14 = arith.mulf %mul3A_13, %broadcast_in_dim3A_11 : vector<1x8192xf32>
    %dot_general3A = arith.constant dense<0.000000e+00> : vector<1024x8192xf32>
    %dot_general3A_15 = tpu.matmul %transpose3A, %get3A_6, %dot_general3A {dimension_numbers = #tpu.dot_dimension_numbers<[1], [0], [0], [1], [0, 0, 1, 1], [], []>, transpose_lhs_hint = false} : vector<1024x32xf32>, vector<32x8192xf32>, vector<1024x8192xf32> -> vector<1024x8192xf32>
    %add3A = vector.broadcast %broadcast_in_dim3A : vector<1024x1xf32> to vector<1024x8192xf32>
    %add3A_16 = arith.addf %add3A, %dot_general3A_15 : vector<1024x8192xf32>
    %add3A_17 = vector.broadcast %mul3A_14 : vector<1x8192xf32> to vector<1024x8192xf32>
    %add3A_18 = arith.addf %add3A_16, %add3A_17 : vector<1024x8192xf32>
    %reduce_min3A = arith.constant dense<0x7F800000> : vector<1024xf32>
    %reduce_min3A_19 = vector.multi_reduction <minimumf>, %add3A_18, %reduce_min3A [1] : vector<1024x8192xf32> to vector<1024xf32>
    %broadcast_in_dim3A_20 = vector.shape_cast %reduce_min3A_19 : vector<1024xf32> to vector<1024x1xf32>
    %get3A_21 = arith.constant 0 : index
    %get3A_22 = arith.constant 0 : index
    %get3A_23 = vector.load %arg3[%get3A_21, %get3A_22] : memref<1x128xf32, #tpu.memory_space<vmem>>, vector<1x128xf32>
    %slice3A = vector.extract_strided_slice %add3A_18 {offsets = [0, 0], sizes = [1024, 128], strides = [1, 1]} : vector<1024x8192xf32> to vector<1024x128xf32>
    %eq3A = vector.broadcast %broadcast_in_dim3A_20 : vector<1024x1xf32> to vector<1024x128xf32>
    %eq3A_24 = arith.cmpf oeq, %slice3A, %eq3A : vector<1024x128xf32>
    %add3A_25 = arith.constant 0.000000e+00 : f32
    %add3A_26 = vector.broadcast %add3A_25 : f32 to vector<1x128xf32>
    %add3A_27 = arith.addf %get3A_23, %add3A_26 : vector<1x128xf32>
    %jit3A = arith.constant 8.192000e+03 : f32
    %broadcast_in_dim3A_28 = vector.shape_cast %add3A_27 : vector<1x128xf32> to vector<1x128xf32>
    %broadcast_in_dim3A_29 = vector.broadcast %broadcast_in_dim3A_28 : vector<1x128xf32> to vector<1024x128xf32>
    %broadcast_in_dim3A_30 = vector.broadcast %jit3A : f32 to vector<1024x128xf32>
    %select_n3A = arith.select %eq3A_24, %broadcast_in_dim3A_29, %broadcast_in_dim3A_30 : vector<1024x128xi1>, vector<1024x128xf32>
    %slice3A_31 = vector.extract_strided_slice %add3A_18 {offsets = [0, 128], sizes = [1024, 128], strides = [1, 1]} : vector<1024x8192xf32> to vector<1024x128xf32>
    %eq3A_32 = vector.broadcast %broadcast_in_dim3A_20 : vector<1024x1xf32> to vector<1024x128xf32>
    %eq3A_33 = arith.cmpf oeq, %slice3A_31, %eq3A_32 : vector<1024x128xf32>
    %add3A_34 = arith.constant 1.280000e+02 : f32
    %add3A_35 = vector.broadcast %add3A_34 : f32 to vector<1x128xf32>
    %add3A_36 = arith.addf %get3A_23, %add3A_35 : vector<1x128xf32>
    %jit3A_37 = arith.constant 8.192000e+03 : f32
    %broadcast_in_dim3A_38 = vector.shape_cast %add3A_36 : vector<1x128xf32> to vector<1x128xf32>
    %broadcast_in_dim3A_39 = vector.broadcast %broadcast_in_dim3A_38 : vector<1x128xf32> to vector<1024x128xf32>
    %broadcast_in_dim3A_40 = vector.broadcast %jit3A_37 : f32 to vector<1024x128xf32>
    %select_n3A_41 = arith.select %eq3A_33, %broadcast_in_dim3A_39, %broadcast_in_dim3A_40 : vector<1024x128xi1>, vector<1024x128xf32>
    %min3A = arith.minimumf %select_n3A, %select_n3A_41 : vector<1024x128xf32>
    %slice3A_42 = vector.extract_strided_slice %add3A_18 {offsets = [0, 256], sizes = [1024, 128], strides = [1, 1]} : vector<1024x8192xf32> to vector<1024x128xf32>
    %eq3A_43 = vector.broadcast %broadcast_in_dim3A_20 : vector<1024x1xf32> to vector<1024x128xf32>
    %eq3A_44 = arith.cmpf oeq, %slice3A_42, %eq3A_43 : vector<1024x128xf32>
    %add3A_45 = arith.constant 2.560000e+02 : f32
    %add3A_46 = vector.broadcast %add3A_45 : f32 to vector<1x128xf32>
    %add3A_47 = arith.addf %get3A_23, %add3A_46 : vector<1x128xf32>
    %jit3A_48 = arith.constant 8.192000e+03 : f32
    %broadcast_in_dim3A_49 = vector.shape_cast %add3A_47 : vector<1x128xf32> to vector<1x128xf32>
    %broadcast_in_dim3A_50 = vector.broadcast %broadcast_in_dim3A_49 : vector<1x128xf32> to vector<1024x128xf32>
    %broadcast_in_dim3A_51 = vector.broadcast %jit3A_48 : f32 to vector<1024x128xf32>
    %select_n3A_52 = arith.select %eq3A_44, %broadcast_in_dim3A_50, %broadcast_in_dim3A_51 : vector<1024x128xi1>, vector<1024x128xf32>
    %min3A_53 = arith.minimumf %min3A, %select_n3A_52 : vector<1024x128xf32>
    %slice3A_54 = vector.extract_strided_slice %add3A_18 {offsets = [0, 384], sizes = [1024, 128], strides = [1, 1]} : vector<1024x8192xf32> to vector<1024x128xf32>
    %eq3A_55 = vector.broadcast %broadcast_in_dim3A_20 : vector<1024x1xf32> to vector<1024x128xf32>
    %eq3A_56 = arith.cmpf oeq, %slice3A_54, %eq3A_55 : vector<1024x128xf32>
    %add3A_57 = arith.constant 3.840000e+02 : f32
    %add3A_58 = vector.broadcast %add3A_57 : f32 to vector<1x128xf32>
    %add3A_59 = arith.addf %get3A_23, %add3A_58 : vector<1x128xf32>
    %jit3A_60 = arith.constant 8.192000e+03 : f32
    %broadcast_in_dim3A_61 = vector.shape_cast %add3A_59 : vector<1x128xf32> to vector<1x128xf32>
    %broadcast_in_dim3A_62 = vector.broadcast %broadcast_in_dim3A_61 : vector<1x128xf32> to vector<1024x128xf32>
    %broadcast_in_dim3A_63 = vector.broadcast %jit3A_60 : f32 to vector<1024x128xf32>
    %select_n3A_64 = arith.select %eq3A_56, %broadcast_in_dim3A_62, %broadcast_in_dim3A_63 : vector<1024x128xi1>, vector<1024x128xf32>
    %min3A_65 = arith.minimumf %min3A_53, %select_n3A_64 : vector<1024x128xf32>
    %slice3A_66 = vector.extract_strided_slice %add3A_18 {offsets = [0, 512], sizes = [1024, 128], strides = [1, 1]} : vector<1024x8192xf32> to vector<1024x128xf32>
    %eq3A_67 = vector.broadcast %broadcast_in_dim3A_20 : vector<1024x1xf32> to vector<1024x128xf32>
    %eq3A_68 = arith.cmpf oeq, %slice3A_66, %eq3A_67 : vector<1024x128xf32>
    %add3A_69 = arith.constant 5.120000e+02 : f32
    %add3A_70 = vector.broadcast %add3A_69 : f32 to vector<1x128xf32>
    %add3A_71 = arith.addf %get3A_23, %add3A_70 : vector<1x128xf32>
    %jit3A_72 = arith.constant 8.192000e+03 : f32
    %broadcast_in_dim3A_73 = vector.shape_cast %add3A_71 : vector<1x128xf32> to vector<1x128xf32>
    %broadcast_in_dim3A_74 = vector.broadcast %broadcast_in_dim3A_73 : vector<1x128xf32> to vector<1024x128xf32>
    %broadcast_in_dim3A_75 = vector.broadcast %jit3A_72 : f32 to vector<1024x128xf32>
    %select_n3A_76 = arith.select %eq3A_68, %broadcast_in_dim3A_74, %broadcast_in_dim3A_75 : vector<1024x128xi1>, vector<1024x128xf32>
    %min3A_77 = arith.minimumf %min3A_65, %select_n3A_76 : vector<1024x128xf32>
    %slice3A_78 = vector.extract_strided_slice %add3A_18 {offsets = [0, 640], sizes = [1024, 128], strides = [1, 1]} : vector<1024x8192xf32> to vector<1024x128xf32>
    %eq3A_79 = vector.broadcast %broadcast_in_dim3A_20 : vector<1024x1xf32> to vector<1024x128xf32>
    %eq3A_80 = arith.cmpf oeq, %slice3A_78, %eq3A_79 : vector<1024x128xf32>
    %add3A_81 = arith.constant 6.400000e+02 : f32
    %add3A_82 = vector.broadcast %add3A_81 : f32 to vector<1x128xf32>
    %add3A_83 = arith.addf %get3A_23, %add3A_82 : vector<1x128xf32>
    %jit3A_84 = arith.constant 8.192000e+03 : f32
    %broadcast_in_dim3A_85 = vector.shape_cast %add3A_83 : vector<1x128xf32> to vector<1x128xf32>
    %broadcast_in_dim3A_86 = vector.broadcast %broadcast_in_dim3A_85 : vector<1x128xf32> to vector<1024x128xf32>
    %broadcast_in_dim3A_87 = vector.broadcast %jit3A_84 : f32 to vector<1024x128xf32>
    %select_n3A_88 = arith.select %eq3A_80, %broadcast_in_dim3A_86, %broadcast_in_dim3A_87 : vector<1024x128xi1>, vector<1024x128xf32>
    %min3A_89 = arith.minimumf %min3A_77, %select_n3A_88 : vector<1024x128xf32>
    %slice3A_90 = vector.extract_strided_slice %add3A_18 {offsets = [0, 768], sizes = [1024, 128], strides = [1, 1]} : vector<1024x8192xf32> to vector<1024x128xf32>
    %eq3A_91 = vector.broadcast %broadcast_in_dim3A_20 : vector<1024x1xf32> to vector<1024x128xf32>
    %eq3A_92 = arith.cmpf oeq, %slice3A_90, %eq3A_91 : vector<1024x128xf32>
    %add3A_93 = arith.constant 7.680000e+02 : f32
    %add3A_94 = vector.broadcast %add3A_93 : f32 to vector<1x128xf32>
    %add3A_95 = arith.addf %get3A_23, %add3A_94 : vector<1x128xf32>
    %jit3A_96 = arith.constant 8.192000e+03 : f32
    %broadcast_in_dim3A_97 = vector.shape_cast %add3A_95 : vector<1x128xf32> to vector<1x128xf32>
    %broadcast_in_dim3A_98 = vector.broadcast %broadcast_in_dim3A_97 : vector<1x128xf32> to vector<1024x128xf32>
    %broadcast_in_dim3A_99 = vector.broadcast %jit3A_96 : f32 to vector<1024x128xf32>
    %select_n3A_100 = arith.select %eq3A_92, %broadcast_in_dim3A_98, %broadcast_in_dim3A_99 : vector<1024x128xi1>, vector<1024x128xf32>
    %min3A_101 = arith.minimumf %min3A_89, %select_n3A_100 : vector<1024x128xf32>
    %slice3A_102 = vector.extract_strided_slice %add3A_18 {offsets = [0, 896], sizes = [1024, 128], strides = [1, 1]} : vector<1024x8192xf32> to vector<1024x128xf32>
    %eq3A_103 = vector.broadcast %broadcast_in_dim3A_20 : vector<1024x1xf32> to vector<1024x128xf32>
    %eq3A_104 = arith.cmpf oeq, %slice3A_102, %eq3A_103 : vector<1024x128xf32>
    %add3A_105 = arith.constant 8.960000e+02 : f32
    %add3A_106 = vector.broadcast %add3A_105 : f32 to vector<1x128xf32>
    %add3A_107 = arith.addf %get3A_23, %add3A_106 : vector<1x128xf32>
    %jit3A_108 = arith.constant 8.192000e+03 : f32
    %broadcast_in_dim3A_109 = vector.shape_cast %add3A_107 : vector<1x128xf32> to vector<1x128xf32>
    %broadcast_in_dim3A_110 = vector.broadcast %broadcast_in_dim3A_109 : vector<1x128xf32> to vector<1024x128xf32>
    %broadcast_in_dim3A_111 = vector.broadcast %jit3A_108 : f32 to vector<1024x128xf32>
    %select_n3A_112 = arith.select %eq3A_104, %broadcast_in_dim3A_110, %broadcast_in_dim3A_111 : vector<1024x128xi1>, vector<1024x128xf32>
    %min3A_113 = arith.minimumf %min3A_101, %select_n3A_112 : vector<1024x128xf32>
    %slice3A_114 = vector.extract_strided_slice %add3A_18 {offsets = [0, 1024], sizes = [1024, 128], strides = [1, 1]} : vector<1024x8192xf32> to vector<1024x128xf32>
    %eq3A_115 = vector.broadcast %broadcast_in_dim3A_20 : vector<1024x1xf32> to vector<1024x128xf32>
    %eq3A_116 = arith.cmpf oeq, %slice3A_114, %eq3A_115 : vector<1024x128xf32>
    %add3A_117 = arith.constant 1.024000e+03 : f32
    %add3A_118 = vector.broadcast %add3A_117 : f32 to vector<1x128xf32>
    %add3A_119 = arith.addf %get3A_23, %add3A_118 : vector<1x128xf32>
    %jit3A_120 = arith.constant 8.192000e+03 : f32
    %broadcast_in_dim3A_121 = vector.shape_cast %add3A_119 : vector<1x128xf32> to vector<1x128xf32>
    %broadcast_in_dim3A_122 = vector.broadcast %broadcast_in_dim3A_121 : vector<1x128xf32> to vector<1024x128xf32>
    %broadcast_in_dim3A_123 = vector.broadcast %jit3A_120 : f32 to vector<1024x128xf32>
    %select_n3A_124 = arith.select %eq3A_116, %broadcast_in_dim3A_122, %broadcast_in_dim3A_123 : vector<1024x128xi1>, vector<1024x128xf32>
    %min3A_125 = arith.minimumf %min3A_113, %select_n3A_124 : vector<1024x128xf32>
    %slice3A_126 = vector.extract_strided_slice %add3A_18 {offsets = [0, 1152], sizes = [1024, 128], strides = [1, 1]} : vector<1024x8192xf32> to vector<1024x128xf32>
    %eq3A_127 = vector.broadcast %broadcast_in_dim3A_20 : vector<1024x1xf32> to vector<1024x128xf32>
    %eq3A_128 = arith.cmpf oeq, %slice3A_126, %eq3A_127 : vector<1024x128xf32>
    %add3A_129 = arith.constant 1.152000e+03 : f32
    %add3A_130 = vector.broadcast %add3A_129 : f32 to vector<1x128xf32>
    %add3A_131 = arith.addf %get3A_23, %add3A_130 : vector<1x128xf32>
    %jit3A_132 = arith.constant 8.192000e+03 : f32
    %broadcast_in_dim3A_133 = vector.shape_cast %add3A_131 : vector<1x128xf32> to vector<1x128xf32>
    %broadcast_in_dim3A_134 = vector.broadcast %broadcast_in_dim3A_133 : vector<1x128xf32> to vector<1024x128xf32>
    %broadcast_in_dim3A_135 = vector.broadcast %jit3A_132 : f32 to vector<1024x128xf32>
    %select_n3A_136 = arith.select %eq3A_128, %broadcast_in_dim3A_134, %broadcast_in_dim3A_135 : vector<1024x128xi1>, vector<1024x128xf32>
    %min3A_137 = arith.minimumf %min3A_125, %select_n3A_136 : vector<1024x128xf32>
    %slice3A_138 = vector.extract_strided_slice %add3A_18 {offsets = [0, 1280], sizes = [1024, 128], strides = [1, 1]} : vector<1024x8192xf32> to vector<1024x128xf32>
    %eq3A_139 = vector.broadcast %broadcast_in_dim3A_20 : vector<1024x1xf32> to vector<1024x128xf32>
    %eq3A_140 = arith.cmpf oeq, %slice3A_138, %eq3A_139 : vector<1024x128xf32>
    %add3A_141 = arith.constant 1.280000e+03 : f32
    %add3A_142 = vector.broadcast %add3A_141 : f32 to vector<1x128xf32>
    %add3A_143 = arith.addf %get3A_23, %add3A_142 : vector<1x128xf32>
    %jit3A_144 = arith.constant 8.192000e+03 : f32
    %broadcast_in_dim3A_145 = vector.shape_cast %add3A_143 : vector<1x128xf32> to vector<1x128xf32>
    %broadcast_in_dim3A_146 = vector.broadcast %broadcast_in_dim3A_145 : vector<1x128xf32> to vector<1024x128xf32>
    %broadcast_in_dim3A_147 = vector.broadcast %jit3A_144 : f32 to vector<1024x128xf32>
    %select_n3A_148 = arith.select %eq3A_140, %broadcast_in_dim3A_146, %broadcast_in_dim3A_147 : vector<1024x128xi1>, vector<1024x128xf32>
    %min3A_149 = arith.minimumf %min3A_137, %select_n3A_148 : vector<1024x128xf32>
    %slice3A_150 = vector.extract_strided_slice %add3A_18 {offsets = [0, 1408], sizes = [1024, 128], strides = [1, 1]} : vector<1024x8192xf32> to vector<1024x128xf32>
    %eq3A_151 = vector.broadcast %broadcast_in_dim3A_20 : vector<1024x1xf32> to vector<1024x128xf32>
    %eq3A_152 = arith.cmpf oeq, %slice3A_150, %eq3A_151 : vector<1024x128xf32>
    %add3A_153 = arith.constant 1.408000e+03 : f32
    %add3A_154 = vector.broadcast %add3A_153 : f32 to vector<1x128xf32>
    %add3A_155 = arith.addf %get3A_23, %add3A_154 : vector<1x128xf32>
    %jit3A_156 = arith.constant 8.192000e+03 : f32
    %broadcast_in_dim3A_157 = vector.shape_cast %add3A_155 : vector<1x128xf32> to vector<1x128xf32>
    %broadcast_in_dim3A_158 = vector.broadcast %broadcast_in_dim3A_157 : vector<1x128xf32> to vector<1024x128xf32>
    %broadcast_in_dim3A_159 = vector.broadcast %jit3A_156 : f32 to vector<1024x128xf32>
    %select_n3A_160 = arith.select %eq3A_152, %broadcast_in_dim3A_158, %broadcast_in_dim3A_159 : vector<1024x128xi1>, vector<1024x128xf32>
    %min3A_161 = arith.minimumf %min3A_149, %select_n3A_160 : vector<1024x128xf32>
    %slice3A_162 = vector.extract_strided_slice %add3A_18 {offsets = [0, 1536], sizes = [1024, 128], strides = [1, 1]} : vector<1024x8192xf32> to vector<1024x128xf32>
    %eq3A_163 = vector.broadcast %broadcast_in_dim3A_20 : vector<1024x1xf32> to vector<1024x128xf32>
    %eq3A_164 = arith.cmpf oeq, %slice3A_162, %eq3A_163 : vector<1024x128xf32>
    %add3A_165 = arith.constant 1.536000e+03 : f32
    %add3A_166 = vector.broadcast %add3A_165 : f32 to vector<1x128xf32>
    %add3A_167 = arith.addf %get3A_23, %add3A_166 : vector<1x128xf32>
    %jit3A_168 = arith.constant 8.192000e+03 : f32
    %broadcast_in_dim3A_169 = vector.shape_cast %add3A_167 : vector<1x128xf32> to vector<1x128xf32>
    %broadcast_in_dim3A_170 = vector.broadcast %broadcast_in_dim3A_169 : vector<1x128xf32> to vector<1024x128xf32>
    %broadcast_in_dim3A_171 = vector.broadcast %jit3A_168 : f32 to vector<1024x128xf32>
    %select_n3A_172 = arith.select %eq3A_164, %broadcast_in_dim3A_170, %broadcast_in_dim3A_171 : vector<1024x128xi1>, vector<1024x128xf32>
    %min3A_173 = arith.minimumf %min3A_161, %select_n3A_172 : vector<1024x128xf32>
    %slice3A_174 = vector.extract_strided_slice %add3A_18 {offsets = [0, 1664], sizes = [1024, 128], strides = [1, 1]} : vector<1024x8192xf32> to vector<1024x128xf32>
    %eq3A_175 = vector.broadcast %broadcast_in_dim3A_20 : vector<1024x1xf32> to vector<1024x128xf32>
    %eq3A_176 = arith.cmpf oeq, %slice3A_174, %eq3A_175 : vector<1024x128xf32>
    %add3A_177 = arith.constant 1.664000e+03 : f32
    %add3A_178 = vector.broadcast %add3A_177 : f32 to vector<1x128xf32>
    %add3A_179 = arith.addf %get3A_23, %add3A_178 : vector<1x128xf32>
    %jit3A_180 = arith.constant 8.192000e+03 : f32
    %broadcast_in_dim3A_181 = vector.shape_cast %add3A_179 : vector<1x128xf32> to vector<1x128xf32>
    %broadcast_in_dim3A_182 = vector.broadcast %broadcast_in_dim3A_181 : vector<1x128xf32> to vector<1024x128xf32>
    %broadcast_in_dim3A_183 = vector.broadcast %jit3A_180 : f32 to vector<1024x128xf32>
    %select_n3A_184 = arith.select %eq3A_176, %broadcast_in_dim3A_182, %broadcast_in_dim3A_183 : vector<1024x128xi1>, vector<1024x128xf32>
    %min3A_185 = arith.minimumf %min3A_173, %select_n3A_184 : vector<1024x128xf32>
    %slice3A_186 = vector.extract_strided_slice %add3A_18 {offsets = [0, 1792], sizes = [1024, 128], strides = [1, 1]} : vector<1024x8192xf32> to vector<1024x128xf32>
    %eq3A_187 = vector.broadcast %broadcast_in_dim3A_20 : vector<1024x1xf32> to vector<1024x128xf32>
    %eq3A_188 = arith.cmpf oeq, %slice3A_186, %eq3A_187 : vector<1024x128xf32>
    %add3A_189 = arith.constant 1.792000e+03 : f32
    %add3A_190 = vector.broadcast %add3A_189 : f32 to vector<1x128xf32>
    %add3A_191 = arith.addf %get3A_23, %add3A_190 : vector<1x128xf32>
    %jit3A_192 = arith.constant 8.192000e+03 : f32
    %broadcast_in_dim3A_193 = vector.shape_cast %add3A_191 : vector<1x128xf32> to vector<1x128xf32>
    %broadcast_in_dim3A_194 = vector.broadcast %broadcast_in_dim3A_193 : vector<1x128xf32> to vector<1024x128xf32>
    %broadcast_in_dim3A_195 = vector.broadcast %jit3A_192 : f32 to vector<1024x128xf32>
    %select_n3A_196 = arith.select %eq3A_188, %broadcast_in_dim3A_194, %broadcast_in_dim3A_195 : vector<1024x128xi1>, vector<1024x128xf32>
    %min3A_197 = arith.minimumf %min3A_185, %select_n3A_196 : vector<1024x128xf32>
    %slice3A_198 = vector.extract_strided_slice %add3A_18 {offsets = [0, 1920], sizes = [1024, 128], strides = [1, 1]} : vector<1024x8192xf32> to vector<1024x128xf32>
    %eq3A_199 = vector.broadcast %broadcast_in_dim3A_20 : vector<1024x1xf32> to vector<1024x128xf32>
    %eq3A_200 = arith.cmpf oeq, %slice3A_198, %eq3A_199 : vector<1024x128xf32>
    %add3A_201 = arith.constant 1.920000e+03 : f32
    %add3A_202 = vector.broadcast %add3A_201 : f32 to vector<1x128xf32>
    %add3A_203 = arith.addf %get3A_23, %add3A_202 : vector<1x128xf32>
    %jit3A_204 = arith.constant 8.192000e+03 : f32
    %broadcast_in_dim3A_205 = vector.shape_cast %add3A_203 : vector<1x128xf32> to vector<1x128xf32>
    %broadcast_in_dim3A_206 = vector.broadcast %broadcast_in_dim3A_205 : vector<1x128xf32> to vector<1024x128xf32>
    %broadcast_in_dim3A_207 = vector.broadcast %jit3A_204 : f32 to vector<1024x128xf32>
    %select_n3A_208 = arith.select %eq3A_200, %broadcast_in_dim3A_206, %broadcast_in_dim3A_207 : vector<1024x128xi1>, vector<1024x128xf32>
    %min3A_209 = arith.minimumf %min3A_197, %select_n3A_208 : vector<1024x128xf32>
    %slice3A_210 = vector.extract_strided_slice %add3A_18 {offsets = [0, 2048], sizes = [1024, 128], strides = [1, 1]} : vector<1024x8192xf32> to vector<1024x128xf32>
    %eq3A_211 = vector.broadcast %broadcast_in_dim3A_20 : vector<1024x1xf32> to vector<1024x128xf32>
    %eq3A_212 = arith.cmpf oeq, %slice3A_210, %eq3A_211 : vector<1024x128xf32>
    %add3A_213 = arith.constant 2.048000e+03 : f32
    %add3A_214 = vector.broadcast %add3A_213 : f32 to vector<1x128xf32>
    %add3A_215 = arith.addf %get3A_23, %add3A_214 : vector<1x128xf32>
    %jit3A_216 = arith.constant 8.192000e+03 : f32
    %broadcast_in_dim3A_217 = vector.shape_cast %add3A_215 : vector<1x128xf32> to vector<1x128xf32>
    %broadcast_in_dim3A_218 = vector.broadcast %broadcast_in_dim3A_217 : vector<1x128xf32> to vector<1024x128xf32>
    %broadcast_in_dim3A_219 = vector.broadcast %jit3A_216 : f32 to vector<1024x128xf32>
    %select_n3A_220 = arith.select %eq3A_212, %broadcast_in_dim3A_218, %broadcast_in_dim3A_219 : vector<1024x128xi1>, vector<1024x128xf32>
    %min3A_221 = arith.minimumf %min3A_209, %select_n3A_220 : vector<1024x128xf32>
    %slice3A_222 = vector.extract_strided_slice %add3A_18 {offsets = [0, 2176], sizes = [1024, 128], strides = [1, 1]} : vector<1024x8192xf32> to vector<1024x128xf32>
    %eq3A_223 = vector.broadcast %broadcast_in_dim3A_20 : vector<1024x1xf32> to vector<1024x128xf32>
    %eq3A_224 = arith.cmpf oeq, %slice3A_222, %eq3A_223 : vector<1024x128xf32>
    %add3A_225 = arith.constant 2.176000e+03 : f32
    %add3A_226 = vector.broadcast %add3A_225 : f32 to vector<1x128xf32>
    %add3A_227 = arith.addf %get3A_23, %add3A_226 : vector<1x128xf32>
    %jit3A_228 = arith.constant 8.192000e+03 : f32
    %broadcast_in_dim3A_229 = vector.shape_cast %add3A_227 : vector<1x128xf32> to vector<1x128xf32>
    %broadcast_in_dim3A_230 = vector.broadcast %broadcast_in_dim3A_229 : vector<1x128xf32> to vector<1024x128xf32>
    %broadcast_in_dim3A_231 = vector.broadcast %jit3A_228 : f32 to vector<1024x128xf32>
    %select_n3A_232 = arith.select %eq3A_224, %broadcast_in_dim3A_230, %broadcast_in_dim3A_231 : vector<1024x128xi1>, vector<1024x128xf32>
    %min3A_233 = arith.minimumf %min3A_221, %select_n3A_232 : vector<1024x128xf32>
    %slice3A_234 = vector.extract_strided_slice %add3A_18 {offsets = [0, 2304], sizes = [1024, 128], strides = [1, 1]} : vector<1024x8192xf32> to vector<1024x128xf32>
    %eq3A_235 = vector.broadcast %broadcast_in_dim3A_20 : vector<1024x1xf32> to vector<1024x128xf32>
    %eq3A_236 = arith.cmpf oeq, %slice3A_234, %eq3A_235 : vector<1024x128xf32>
    %add3A_237 = arith.constant 2.304000e+03 : f32
    %add3A_238 = vector.broadcast %add3A_237 : f32 to vector<1x128xf32>
    %add3A_239 = arith.addf %get3A_23, %add3A_238 : vector<1x128xf32>
    %jit3A_240 = arith.constant 8.192000e+03 : f32
    %broadcast_in_dim3A_241 = vector.shape_cast %add3A_239 : vector<1x128xf32> to vector<1x128xf32>
    %broadcast_in_dim3A_242 = vector.broadcast %broadcast_in_dim3A_241 : vector<1x128xf32> to vector<1024x128xf32>
    %broadcast_in_dim3A_243 = vector.broadcast %jit3A_240 : f32 to vector<1024x128xf32>
    %select_n3A_244 = arith.select %eq3A_236, %broadcast_in_dim3A_242, %broadcast_in_dim3A_243 : vector<1024x128xi1>, vector<1024x128xf32>
    %min3A_245 = arith.minimumf %min3A_233, %select_n3A_244 : vector<1024x128xf32>
    %slice3A_246 = vector.extract_strided_slice %add3A_18 {offsets = [0, 2432], sizes = [1024, 128], strides = [1, 1]} : vector<1024x8192xf32> to vector<1024x128xf32>
    %eq3A_247 = vector.broadcast %broadcast_in_dim3A_20 : vector<1024x1xf32> to vector<1024x128xf32>
    %eq3A_248 = arith.cmpf oeq, %slice3A_246, %eq3A_247 : vector<1024x128xf32>
    %add3A_249 = arith.constant 2.432000e+03 : f32
    %add3A_250 = vector.broadcast %add3A_249 : f32 to vector<1x128xf32>
    %add3A_251 = arith.addf %get3A_23, %add3A_250 : vector<1x128xf32>
    %jit3A_252 = arith.constant 8.192000e+03 : f32
    %broadcast_in_dim3A_253 = vector.shape_cast %add3A_251 : vector<1x128xf32> to vector<1x128xf32>
    %broadcast_in_dim3A_254 = vector.broadcast %broadcast_in_dim3A_253 : vector<1x128xf32> to vector<1024x128xf32>
    %broadcast_in_dim3A_255 = vector.broadcast %jit3A_252 : f32 to vector<1024x128xf32>
    %select_n3A_256 = arith.select %eq3A_248, %broadcast_in_dim3A_254, %broadcast_in_dim3A_255 : vector<1024x128xi1>, vector<1024x128xf32>
    %min3A_257 = arith.minimumf %min3A_245, %select_n3A_256 : vector<1024x128xf32>
    %slice3A_258 = vector.extract_strided_slice %add3A_18 {offsets = [0, 2560], sizes = [1024, 128], strides = [1, 1]} : vector<1024x8192xf32> to vector<1024x128xf32>
    %eq3A_259 = vector.broadcast %broadcast_in_dim3A_20 : vector<1024x1xf32> to vector<1024x128xf32>
    %eq3A_260 = arith.cmpf oeq, %slice3A_258, %eq3A_259 : vector<1024x128xf32>
    %add3A_261 = arith.constant 2.560000e+03 : f32
    %add3A_262 = vector.broadcast %add3A_261 : f32 to vector<1x128xf32>
    %add3A_263 = arith.addf %get3A_23, %add3A_262 : vector<1x128xf32>
    %jit3A_264 = arith.constant 8.192000e+03 : f32
    %broadcast_in_dim3A_265 = vector.shape_cast %add3A_263 : vector<1x128xf32> to vector<1x128xf32>
    %broadcast_in_dim3A_266 = vector.broadcast %broadcast_in_dim3A_265 : vector<1x128xf32> to vector<1024x128xf32>
    %broadcast_in_dim3A_267 = vector.broadcast %jit3A_264 : f32 to vector<1024x128xf32>
    %select_n3A_268 = arith.select %eq3A_260, %broadcast_in_dim3A_266, %broadcast_in_dim3A_267 : vector<1024x128xi1>, vector<1024x128xf32>
    %min3A_269 = arith.minimumf %min3A_257, %select_n3A_268 : vector<1024x128xf32>
    %slice3A_270 = vector.extract_strided_slice %add3A_18 {offsets = [0, 2688], sizes = [1024, 128], strides = [1, 1]} : vector<1024x8192xf32> to vector<1024x128xf32>
    %eq3A_271 = vector.broadcast %broadcast_in_dim3A_20 : vector<1024x1xf32> to vector<1024x128xf32>
    %eq3A_272 = arith.cmpf oeq, %slice3A_270, %eq3A_271 : vector<1024x128xf32>
    %add3A_273 = arith.constant 2.688000e+03 : f32
    %add3A_274 = vector.broadcast %add3A_273 : f32 to vector<1x128xf32>
    %add3A_275 = arith.addf %get3A_23, %add3A_274 : vector<1x128xf32>
    %jit3A_276 = arith.constant 8.192000e+03 : f32
    %broadcast_in_dim3A_277 = vector.shape_cast %add3A_275 : vector<1x128xf32> to vector<1x128xf32>
    %broadcast_in_dim3A_278 = vector.broadcast %broadcast_in_dim3A_277 : vector<1x128xf32> to vector<1024x128xf32>
    %broadcast_in_dim3A_279 = vector.broadcast %jit3A_276 : f32 to vector<1024x128xf32>
    %select_n3A_280 = arith.select %eq3A_272, %broadcast_in_dim3A_278, %broadcast_in_dim3A_279 : vector<1024x128xi1>, vector<1024x128xf32>
    %min3A_281 = arith.minimumf %min3A_269, %select_n3A_280 : vector<1024x128xf32>
    %slice3A_282 = vector.extract_strided_slice %add3A_18 {offsets = [0, 2816], sizes = [1024, 128], strides = [1, 1]} : vector<1024x8192xf32> to vector<1024x128xf32>
    %eq3A_283 = vector.broadcast %broadcast_in_dim3A_20 : vector<1024x1xf32> to vector<1024x128xf32>
    %eq3A_284 = arith.cmpf oeq, %slice3A_282, %eq3A_283 : vector<1024x128xf32>
    %add3A_285 = arith.constant 2.816000e+03 : f32
    %add3A_286 = vector.broadcast %add3A_285 : f32 to vector<1x128xf32>
    %add3A_287 = arith.addf %get3A_23, %add3A_286 : vector<1x128xf32>
    %jit3A_288 = arith.constant 8.192000e+03 : f32
    %broadcast_in_dim3A_289 = vector.shape_cast %add3A_287 : vector<1x128xf32> to vector<1x128xf32>
    %broadcast_in_dim3A_290 = vector.broadcast %broadcast_in_dim3A_289 : vector<1x128xf32> to vector<1024x128xf32>
    %broadcast_in_dim3A_291 = vector.broadcast %jit3A_288 : f32 to vector<1024x128xf32>
    %select_n3A_292 = arith.select %eq3A_284, %broadcast_in_dim3A_290, %broadcast_in_dim3A_291 : vector<1024x128xi1>, vector<1024x128xf32>
    %min3A_293 = arith.minimumf %min3A_281, %select_n3A_292 : vector<1024x128xf32>
    %slice3A_294 = vector.extract_strided_slice %add3A_18 {offsets = [0, 2944], sizes = [1024, 128], strides = [1, 1]} : vector<1024x8192xf32> to vector<1024x128xf32>
    %eq3A_295 = vector.broadcast %broadcast_in_dim3A_20 : vector<1024x1xf32> to vector<1024x128xf32>
    %eq3A_296 = arith.cmpf oeq, %slice3A_294, %eq3A_295 : vector<1024x128xf32>
    %add3A_297 = arith.constant 2.944000e+03 : f32
    %add3A_298 = vector.broadcast %add3A_297 : f32 to vector<1x128xf32>
    %add3A_299 = arith.addf %get3A_23, %add3A_298 : vector<1x128xf32>
    %jit3A_300 = arith.constant 8.192000e+03 : f32
    %broadcast_in_dim3A_301 = vector.shape_cast %add3A_299 : vector<1x128xf32> to vector<1x128xf32>
    %broadcast_in_dim3A_302 = vector.broadcast %broadcast_in_dim3A_301 : vector<1x128xf32> to vector<1024x128xf32>
    %broadcast_in_dim3A_303 = vector.broadcast %jit3A_300 : f32 to vector<1024x128xf32>
    %select_n3A_304 = arith.select %eq3A_296, %broadcast_in_dim3A_302, %broadcast_in_dim3A_303 : vector<1024x128xi1>, vector<1024x128xf32>
    %min3A_305 = arith.minimumf %min3A_293, %select_n3A_304 : vector<1024x128xf32>
    %slice3A_306 = vector.extract_strided_slice %add3A_18 {offsets = [0, 3072], sizes = [1024, 128], strides = [1, 1]} : vector<1024x8192xf32> to vector<1024x128xf32>
    %eq3A_307 = vector.broadcast %broadcast_in_dim3A_20 : vector<1024x1xf32> to vector<1024x128xf32>
    %eq3A_308 = arith.cmpf oeq, %slice3A_306, %eq3A_307 : vector<1024x128xf32>
    %add3A_309 = arith.constant 3.072000e+03 : f32
    %add3A_310 = vector.broadcast %add3A_309 : f32 to vector<1x128xf32>
    %add3A_311 = arith.addf %get3A_23, %add3A_310 : vector<1x128xf32>
    %jit3A_312 = arith.constant 8.192000e+03 : f32
    %broadcast_in_dim3A_313 = vector.shape_cast %add3A_311 : vector<1x128xf32> to vector<1x128xf32>
    %broadcast_in_dim3A_314 = vector.broadcast %broadcast_in_dim3A_313 : vector<1x128xf32> to vector<1024x128xf32>
    %broadcast_in_dim3A_315 = vector.broadcast %jit3A_312 : f32 to vector<1024x128xf32>
    %select_n3A_316 = arith.select %eq3A_308, %broadcast_in_dim3A_314, %broadcast_in_dim3A_315 : vector<1024x128xi1>, vector<1024x128xf32>
    %min3A_317 = arith.minimumf %min3A_305, %select_n3A_316 : vector<1024x128xf32>
    %slice3A_318 = vector.extract_strided_slice %add3A_18 {offsets = [0, 3200], sizes = [1024, 128], strides = [1, 1]} : vector<1024x8192xf32> to vector<1024x128xf32>
    %eq3A_319 = vector.broadcast %broadcast_in_dim3A_20 : vector<1024x1xf32> to vector<1024x128xf32>
    %eq3A_320 = arith.cmpf oeq, %slice3A_318, %eq3A_319 : vector<1024x128xf32>
    %add3A_321 = arith.constant 3.200000e+03 : f32
    %add3A_322 = vector.broadcast %add3A_321 : f32 to vector<1x128xf32>
    %add3A_323 = arith.addf %get3A_23, %add3A_322 : vector<1x128xf32>
    %jit3A_324 = arith.constant 8.192000e+03 : f32
    %broadcast_in_dim3A_325 = vector.shape_cast %add3A_323 : vector<1x128xf32> to vector<1x128xf32>
    %broadcast_in_dim3A_326 = vector.broadcast %broadcast_in_dim3A_325 : vector<1x128xf32> to vector<1024x128xf32>
    %broadcast_in_dim3A_327 = vector.broadcast %jit3A_324 : f32 to vector<1024x128xf32>
    %select_n3A_328 = arith.select %eq3A_320, %broadcast_in_dim3A_326, %broadcast_in_dim3A_327 : vector<1024x128xi1>, vector<1024x128xf32>
    %min3A_329 = arith.minimumf %min3A_317, %select_n3A_328 : vector<1024x128xf32>
    %slice3A_330 = vector.extract_strided_slice %add3A_18 {offsets = [0, 3328], sizes = [1024, 128], strides = [1, 1]} : vector<1024x8192xf32> to vector<1024x128xf32>
    %eq3A_331 = vector.broadcast %broadcast_in_dim3A_20 : vector<1024x1xf32> to vector<1024x128xf32>
    %eq3A_332 = arith.cmpf oeq, %slice3A_330, %eq3A_331 : vector<1024x128xf32>
    %add3A_333 = arith.constant 3.328000e+03 : f32
    %add3A_334 = vector.broadcast %add3A_333 : f32 to vector<1x128xf32>
    %add3A_335 = arith.addf %get3A_23, %add3A_334 : vector<1x128xf32>
    %jit3A_336 = arith.constant 8.192000e+03 : f32
    %broadcast_in_dim3A_337 = vector.shape_cast %add3A_335 : vector<1x128xf32> to vector<1x128xf32>
    %broadcast_in_dim3A_338 = vector.broadcast %broadcast_in_dim3A_337 : vector<1x128xf32> to vector<1024x128xf32>
    %broadcast_in_dim3A_339 = vector.broadcast %jit3A_336 : f32 to vector<1024x128xf32>
    %select_n3A_340 = arith.select %eq3A_332, %broadcast_in_dim3A_338, %broadcast_in_dim3A_339 : vector<1024x128xi1>, vector<1024x128xf32>
    %min3A_341 = arith.minimumf %min3A_329, %select_n3A_340 : vector<1024x128xf32>
    %slice3A_342 = vector.extract_strided_slice %add3A_18 {offsets = [0, 3456], sizes = [1024, 128], strides = [1, 1]} : vector<1024x8192xf32> to vector<1024x128xf32>
    %eq3A_343 = vector.broadcast %broadcast_in_dim3A_20 : vector<1024x1xf32> to vector<1024x128xf32>
    %eq3A_344 = arith.cmpf oeq, %slice3A_342, %eq3A_343 : vector<1024x128xf32>
    %add3A_345 = arith.constant 3.456000e+03 : f32
    %add3A_346 = vector.broadcast %add3A_345 : f32 to vector<1x128xf32>
    %add3A_347 = arith.addf %get3A_23, %add3A_346 : vector<1x128xf32>
    %jit3A_348 = arith.constant 8.192000e+03 : f32
    %broadcast_in_dim3A_349 = vector.shape_cast %add3A_347 : vector<1x128xf32> to vector<1x128xf32>
    %broadcast_in_dim3A_350 = vector.broadcast %broadcast_in_dim3A_349 : vector<1x128xf32> to vector<1024x128xf32>
    %broadcast_in_dim3A_351 = vector.broadcast %jit3A_348 : f32 to vector<1024x128xf32>
    %select_n3A_352 = arith.select %eq3A_344, %broadcast_in_dim3A_350, %broadcast_in_dim3A_351 : vector<1024x128xi1>, vector<1024x128xf32>
    %min3A_353 = arith.minimumf %min3A_341, %select_n3A_352 : vector<1024x128xf32>
    %slice3A_354 = vector.extract_strided_slice %add3A_18 {offsets = [0, 3584], sizes = [1024, 128], strides = [1, 1]} : vector<1024x8192xf32> to vector<1024x128xf32>
    %eq3A_355 = vector.broadcast %broadcast_in_dim3A_20 : vector<1024x1xf32> to vector<1024x128xf32>
    %eq3A_356 = arith.cmpf oeq, %slice3A_354, %eq3A_355 : vector<1024x128xf32>
    %add3A_357 = arith.constant 3.584000e+03 : f32
    %add3A_358 = vector.broadcast %add3A_357 : f32 to vector<1x128xf32>
    %add3A_359 = arith.addf %get3A_23, %add3A_358 : vector<1x128xf32>
    %jit3A_360 = arith.constant 8.192000e+03 : f32
    %broadcast_in_dim3A_361 = vector.shape_cast %add3A_359 : vector<1x128xf32> to vector<1x128xf32>
    %broadcast_in_dim3A_362 = vector.broadcast %broadcast_in_dim3A_361 : vector<1x128xf32> to vector<1024x128xf32>
    %broadcast_in_dim3A_363 = vector.broadcast %jit3A_360 : f32 to vector<1024x128xf32>
    %select_n3A_364 = arith.select %eq3A_356, %broadcast_in_dim3A_362, %broadcast_in_dim3A_363 : vector<1024x128xi1>, vector<1024x128xf32>
    %min3A_365 = arith.minimumf %min3A_353, %select_n3A_364 : vector<1024x128xf32>
    %slice3A_366 = vector.extract_strided_slice %add3A_18 {offsets = [0, 3712], sizes = [1024, 128], strides = [1, 1]} : vector<1024x8192xf32> to vector<1024x128xf32>
    %eq3A_367 = vector.broadcast %broadcast_in_dim3A_20 : vector<1024x1xf32> to vector<1024x128xf32>
    %eq3A_368 = arith.cmpf oeq, %slice3A_366, %eq3A_367 : vector<1024x128xf32>
    %add3A_369 = arith.constant 3.712000e+03 : f32
    %add3A_370 = vector.broadcast %add3A_369 : f32 to vector<1x128xf32>
    %add3A_371 = arith.addf %get3A_23, %add3A_370 : vector<1x128xf32>
    %jit3A_372 = arith.constant 8.192000e+03 : f32
    %broadcast_in_dim3A_373 = vector.shape_cast %add3A_371 : vector<1x128xf32> to vector<1x128xf32>
    %broadcast_in_dim3A_374 = vector.broadcast %broadcast_in_dim3A_373 : vector<1x128xf32> to vector<1024x128xf32>
    %broadcast_in_dim3A_375 = vector.broadcast %jit3A_372 : f32 to vector<1024x128xf32>
    %select_n3A_376 = arith.select %eq3A_368, %broadcast_in_dim3A_374, %broadcast_in_dim3A_375 : vector<1024x128xi1>, vector<1024x128xf32>
    %min3A_377 = arith.minimumf %min3A_365, %select_n3A_376 : vector<1024x128xf32>
    %slice3A_378 = vector.extract_strided_slice %add3A_18 {offsets = [0, 3840], sizes = [1024, 128], strides = [1, 1]} : vector<1024x8192xf32> to vector<1024x128xf32>
    %eq3A_379 = vector.broadcast %broadcast_in_dim3A_20 : vector<1024x1xf32> to vector<1024x128xf32>
    %eq3A_380 = arith.cmpf oeq, %slice3A_378, %eq3A_379 : vector<1024x128xf32>
    %add3A_381 = arith.constant 3.840000e+03 : f32
    %add3A_382 = vector.broadcast %add3A_381 : f32 to vector<1x128xf32>
    %add3A_383 = arith.addf %get3A_23, %add3A_382 : vector<1x128xf32>
    %jit3A_384 = arith.constant 8.192000e+03 : f32
    %broadcast_in_dim3A_385 = vector.shape_cast %add3A_383 : vector<1x128xf32> to vector<1x128xf32>
    %broadcast_in_dim3A_386 = vector.broadcast %broadcast_in_dim3A_385 : vector<1x128xf32> to vector<1024x128xf32>
    %broadcast_in_dim3A_387 = vector.broadcast %jit3A_384 : f32 to vector<1024x128xf32>
    %select_n3A_388 = arith.select %eq3A_380, %broadcast_in_dim3A_386, %broadcast_in_dim3A_387 : vector<1024x128xi1>, vector<1024x128xf32>
    %min3A_389 = arith.minimumf %min3A_377, %select_n3A_388 : vector<1024x128xf32>
    %slice3A_390 = vector.extract_strided_slice %add3A_18 {offsets = [0, 3968], sizes = [1024, 128], strides = [1, 1]} : vector<1024x8192xf32> to vector<1024x128xf32>
    %eq3A_391 = vector.broadcast %broadcast_in_dim3A_20 : vector<1024x1xf32> to vector<1024x128xf32>
    %eq3A_392 = arith.cmpf oeq, %slice3A_390, %eq3A_391 : vector<1024x128xf32>
    %add3A_393 = arith.constant 3.968000e+03 : f32
    %add3A_394 = vector.broadcast %add3A_393 : f32 to vector<1x128xf32>
    %add3A_395 = arith.addf %get3A_23, %add3A_394 : vector<1x128xf32>
    %jit3A_396 = arith.constant 8.192000e+03 : f32
    %broadcast_in_dim3A_397 = vector.shape_cast %add3A_395 : vector<1x128xf32> to vector<1x128xf32>
    %broadcast_in_dim3A_398 = vector.broadcast %broadcast_in_dim3A_397 : vector<1x128xf32> to vector<1024x128xf32>
    %broadcast_in_dim3A_399 = vector.broadcast %jit3A_396 : f32 to vector<1024x128xf32>
    %select_n3A_400 = arith.select %eq3A_392, %broadcast_in_dim3A_398, %broadcast_in_dim3A_399 : vector<1024x128xi1>, vector<1024x128xf32>
    %min3A_401 = arith.minimumf %min3A_389, %select_n3A_400 : vector<1024x128xf32>
    %slice3A_402 = vector.extract_strided_slice %add3A_18 {offsets = [0, 4096], sizes = [1024, 128], strides = [1, 1]} : vector<1024x8192xf32> to vector<1024x128xf32>
    %eq3A_403 = vector.broadcast %broadcast_in_dim3A_20 : vector<1024x1xf32> to vector<1024x128xf32>
    %eq3A_404 = arith.cmpf oeq, %slice3A_402, %eq3A_403 : vector<1024x128xf32>
    %add3A_405 = arith.constant 4.096000e+03 : f32
    %add3A_406 = vector.broadcast %add3A_405 : f32 to vector<1x128xf32>
    %add3A_407 = arith.addf %get3A_23, %add3A_406 : vector<1x128xf32>
    %jit3A_408 = arith.constant 8.192000e+03 : f32
    %broadcast_in_dim3A_409 = vector.shape_cast %add3A_407 : vector<1x128xf32> to vector<1x128xf32>
    %broadcast_in_dim3A_410 = vector.broadcast %broadcast_in_dim3A_409 : vector<1x128xf32> to vector<1024x128xf32>
    %broadcast_in_dim3A_411 = vector.broadcast %jit3A_408 : f32 to vector<1024x128xf32>
    %select_n3A_412 = arith.select %eq3A_404, %broadcast_in_dim3A_410, %broadcast_in_dim3A_411 : vector<1024x128xi1>, vector<1024x128xf32>
    %min3A_413 = arith.minimumf %min3A_401, %select_n3A_412 : vector<1024x128xf32>
    %slice3A_414 = vector.extract_strided_slice %add3A_18 {offsets = [0, 4224], sizes = [1024, 128], strides = [1, 1]} : vector<1024x8192xf32> to vector<1024x128xf32>
    %eq3A_415 = vector.broadcast %broadcast_in_dim3A_20 : vector<1024x1xf32> to vector<1024x128xf32>
    %eq3A_416 = arith.cmpf oeq, %slice3A_414, %eq3A_415 : vector<1024x128xf32>
    %add3A_417 = arith.constant 4.224000e+03 : f32
    %add3A_418 = vector.broadcast %add3A_417 : f32 to vector<1x128xf32>
    %add3A_419 = arith.addf %get3A_23, %add3A_418 : vector<1x128xf32>
    %jit3A_420 = arith.constant 8.192000e+03 : f32
    %broadcast_in_dim3A_421 = vector.shape_cast %add3A_419 : vector<1x128xf32> to vector<1x128xf32>
    %broadcast_in_dim3A_422 = vector.broadcast %broadcast_in_dim3A_421 : vector<1x128xf32> to vector<1024x128xf32>
    %broadcast_in_dim3A_423 = vector.broadcast %jit3A_420 : f32 to vector<1024x128xf32>
    %select_n3A_424 = arith.select %eq3A_416, %broadcast_in_dim3A_422, %broadcast_in_dim3A_423 : vector<1024x128xi1>, vector<1024x128xf32>
    %min3A_425 = arith.minimumf %min3A_413, %select_n3A_424 : vector<1024x128xf32>
    %slice3A_426 = vector.extract_strided_slice %add3A_18 {offsets = [0, 4352], sizes = [1024, 128], strides = [1, 1]} : vector<1024x8192xf32> to vector<1024x128xf32>
    %eq3A_427 = vector.broadcast %broadcast_in_dim3A_20 : vector<1024x1xf32> to vector<1024x128xf32>
    %eq3A_428 = arith.cmpf oeq, %slice3A_426, %eq3A_427 : vector<1024x128xf32>
    %add3A_429 = arith.constant 4.352000e+03 : f32
    %add3A_430 = vector.broadcast %add3A_429 : f32 to vector<1x128xf32>
    %add3A_431 = arith.addf %get3A_23, %add3A_430 : vector<1x128xf32>
    %jit3A_432 = arith.constant 8.192000e+03 : f32
    %broadcast_in_dim3A_433 = vector.shape_cast %add3A_431 : vector<1x128xf32> to vector<1x128xf32>
    %broadcast_in_dim3A_434 = vector.broadcast %broadcast_in_dim3A_433 : vector<1x128xf32> to vector<1024x128xf32>
    %broadcast_in_dim3A_435 = vector.broadcast %jit3A_432 : f32 to vector<1024x128xf32>
    %select_n3A_436 = arith.select %eq3A_428, %broadcast_in_dim3A_434, %broadcast_in_dim3A_435 : vector<1024x128xi1>, vector<1024x128xf32>
    %min3A_437 = arith.minimumf %min3A_425, %select_n3A_436 : vector<1024x128xf32>
    %slice3A_438 = vector.extract_strided_slice %add3A_18 {offsets = [0, 4480], sizes = [1024, 128], strides = [1, 1]} : vector<1024x8192xf32> to vector<1024x128xf32>
    %eq3A_439 = vector.broadcast %broadcast_in_dim3A_20 : vector<1024x1xf32> to vector<1024x128xf32>
    %eq3A_440 = arith.cmpf oeq, %slice3A_438, %eq3A_439 : vector<1024x128xf32>
    %add3A_441 = arith.constant 4.480000e+03 : f32
    %add3A_442 = vector.broadcast %add3A_441 : f32 to vector<1x128xf32>
    %add3A_443 = arith.addf %get3A_23, %add3A_442 : vector<1x128xf32>
    %jit3A_444 = arith.constant 8.192000e+03 : f32
    %broadcast_in_dim3A_445 = vector.shape_cast %add3A_443 : vector<1x128xf32> to vector<1x128xf32>
    %broadcast_in_dim3A_446 = vector.broadcast %broadcast_in_dim3A_445 : vector<1x128xf32> to vector<1024x128xf32>
    %broadcast_in_dim3A_447 = vector.broadcast %jit3A_444 : f32 to vector<1024x128xf32>
    %select_n3A_448 = arith.select %eq3A_440, %broadcast_in_dim3A_446, %broadcast_in_dim3A_447 : vector<1024x128xi1>, vector<1024x128xf32>
    %min3A_449 = arith.minimumf %min3A_437, %select_n3A_448 : vector<1024x128xf32>
    %slice3A_450 = vector.extract_strided_slice %add3A_18 {offsets = [0, 4608], sizes = [1024, 128], strides = [1, 1]} : vector<1024x8192xf32> to vector<1024x128xf32>
    %eq3A_451 = vector.broadcast %broadcast_in_dim3A_20 : vector<1024x1xf32> to vector<1024x128xf32>
    %eq3A_452 = arith.cmpf oeq, %slice3A_450, %eq3A_451 : vector<1024x128xf32>
    %add3A_453 = arith.constant 4.608000e+03 : f32
    %add3A_454 = vector.broadcast %add3A_453 : f32 to vector<1x128xf32>
    %add3A_455 = arith.addf %get3A_23, %add3A_454 : vector<1x128xf32>
    %jit3A_456 = arith.constant 8.192000e+03 : f32
    %broadcast_in_dim3A_457 = vector.shape_cast %add3A_455 : vector<1x128xf32> to vector<1x128xf32>
    %broadcast_in_dim3A_458 = vector.broadcast %broadcast_in_dim3A_457 : vector<1x128xf32> to vector<1024x128xf32>
    %broadcast_in_dim3A_459 = vector.broadcast %jit3A_456 : f32 to vector<1024x128xf32>
    %select_n3A_460 = arith.select %eq3A_452, %broadcast_in_dim3A_458, %broadcast_in_dim3A_459 : vector<1024x128xi1>, vector<1024x128xf32>
    %min3A_461 = arith.minimumf %min3A_449, %select_n3A_460 : vector<1024x128xf32>
    %slice3A_462 = vector.extract_strided_slice %add3A_18 {offsets = [0, 4736], sizes = [1024, 128], strides = [1, 1]} : vector<1024x8192xf32> to vector<1024x128xf32>
    %eq3A_463 = vector.broadcast %broadcast_in_dim3A_20 : vector<1024x1xf32> to vector<1024x128xf32>
    %eq3A_464 = arith.cmpf oeq, %slice3A_462, %eq3A_463 : vector<1024x128xf32>
    %add3A_465 = arith.constant 4.736000e+03 : f32
    %add3A_466 = vector.broadcast %add3A_465 : f32 to vector<1x128xf32>
    %add3A_467 = arith.addf %get3A_23, %add3A_466 : vector<1x128xf32>
    %jit3A_468 = arith.constant 8.192000e+03 : f32
    %broadcast_in_dim3A_469 = vector.shape_cast %add3A_467 : vector<1x128xf32> to vector<1x128xf32>
    %broadcast_in_dim3A_470 = vector.broadcast %broadcast_in_dim3A_469 : vector<1x128xf32> to vector<1024x128xf32>
    %broadcast_in_dim3A_471 = vector.broadcast %jit3A_468 : f32 to vector<1024x128xf32>
    %select_n3A_472 = arith.select %eq3A_464, %broadcast_in_dim3A_470, %broadcast_in_dim3A_471 : vector<1024x128xi1>, vector<1024x128xf32>
    %min3A_473 = arith.minimumf %min3A_461, %select_n3A_472 : vector<1024x128xf32>
    %slice3A_474 = vector.extract_strided_slice %add3A_18 {offsets = [0, 4864], sizes = [1024, 128], strides = [1, 1]} : vector<1024x8192xf32> to vector<1024x128xf32>
    %eq3A_475 = vector.broadcast %broadcast_in_dim3A_20 : vector<1024x1xf32> to vector<1024x128xf32>
    %eq3A_476 = arith.cmpf oeq, %slice3A_474, %eq3A_475 : vector<1024x128xf32>
    %add3A_477 = arith.constant 4.864000e+03 : f32
    %add3A_478 = vector.broadcast %add3A_477 : f32 to vector<1x128xf32>
    %add3A_479 = arith.addf %get3A_23, %add3A_478 : vector<1x128xf32>
    %jit3A_480 = arith.constant 8.192000e+03 : f32
    %broadcast_in_dim3A_481 = vector.shape_cast %add3A_479 : vector<1x128xf32> to vector<1x128xf32>
    %broadcast_in_dim3A_482 = vector.broadcast %broadcast_in_dim3A_481 : vector<1x128xf32> to vector<1024x128xf32>
    %broadcast_in_dim3A_483 = vector.broadcast %jit3A_480 : f32 to vector<1024x128xf32>
    %select_n3A_484 = arith.select %eq3A_476, %broadcast_in_dim3A_482, %broadcast_in_dim3A_483 : vector<1024x128xi1>, vector<1024x128xf32>
    %min3A_485 = arith.minimumf %min3A_473, %select_n3A_484 : vector<1024x128xf32>
    %slice3A_486 = vector.extract_strided_slice %add3A_18 {offsets = [0, 4992], sizes = [1024, 128], strides = [1, 1]} : vector<1024x8192xf32> to vector<1024x128xf32>
    %eq3A_487 = vector.broadcast %broadcast_in_dim3A_20 : vector<1024x1xf32> to vector<1024x128xf32>
    %eq3A_488 = arith.cmpf oeq, %slice3A_486, %eq3A_487 : vector<1024x128xf32>
    %add3A_489 = arith.constant 4.992000e+03 : f32
    %add3A_490 = vector.broadcast %add3A_489 : f32 to vector<1x128xf32>
    %add3A_491 = arith.addf %get3A_23, %add3A_490 : vector<1x128xf32>
    %jit3A_492 = arith.constant 8.192000e+03 : f32
    %broadcast_in_dim3A_493 = vector.shape_cast %add3A_491 : vector<1x128xf32> to vector<1x128xf32>
    %broadcast_in_dim3A_494 = vector.broadcast %broadcast_in_dim3A_493 : vector<1x128xf32> to vector<1024x128xf32>
    %broadcast_in_dim3A_495 = vector.broadcast %jit3A_492 : f32 to vector<1024x128xf32>
    %select_n3A_496 = arith.select %eq3A_488, %broadcast_in_dim3A_494, %broadcast_in_dim3A_495 : vector<1024x128xi1>, vector<1024x128xf32>
    %min3A_497 = arith.minimumf %min3A_485, %select_n3A_496 : vector<1024x128xf32>
    %slice3A_498 = vector.extract_strided_slice %add3A_18 {offsets = [0, 5120], sizes = [1024, 128], strides = [1, 1]} : vector<1024x8192xf32> to vector<1024x128xf32>
    %eq3A_499 = vector.broadcast %broadcast_in_dim3A_20 : vector<1024x1xf32> to vector<1024x128xf32>
    %eq3A_500 = arith.cmpf oeq, %slice3A_498, %eq3A_499 : vector<1024x128xf32>
    %add3A_501 = arith.constant 5.120000e+03 : f32
    %add3A_502 = vector.broadcast %add3A_501 : f32 to vector<1x128xf32>
    %add3A_503 = arith.addf %get3A_23, %add3A_502 : vector<1x128xf32>
    %jit3A_504 = arith.constant 8.192000e+03 : f32
    %broadcast_in_dim3A_505 = vector.shape_cast %add3A_503 : vector<1x128xf32> to vector<1x128xf32>
    %broadcast_in_dim3A_506 = vector.broadcast %broadcast_in_dim3A_505 : vector<1x128xf32> to vector<1024x128xf32>
    %broadcast_in_dim3A_507 = vector.broadcast %jit3A_504 : f32 to vector<1024x128xf32>
    %select_n3A_508 = arith.select %eq3A_500, %broadcast_in_dim3A_506, %broadcast_in_dim3A_507 : vector<1024x128xi1>, vector<1024x128xf32>
    %min3A_509 = arith.minimumf %min3A_497, %select_n3A_508 : vector<1024x128xf32>
    %slice3A_510 = vector.extract_strided_slice %add3A_18 {offsets = [0, 5248], sizes = [1024, 128], strides = [1, 1]} : vector<1024x8192xf32> to vector<1024x128xf32>
    %eq3A_511 = vector.broadcast %broadcast_in_dim3A_20 : vector<1024x1xf32> to vector<1024x128xf32>
    %eq3A_512 = arith.cmpf oeq, %slice3A_510, %eq3A_511 : vector<1024x128xf32>
    %add3A_513 = arith.constant 5.248000e+03 : f32
    %add3A_514 = vector.broadcast %add3A_513 : f32 to vector<1x128xf32>
    %add3A_515 = arith.addf %get3A_23, %add3A_514 : vector<1x128xf32>
    %jit3A_516 = arith.constant 8.192000e+03 : f32
    %broadcast_in_dim3A_517 = vector.shape_cast %add3A_515 : vector<1x128xf32> to vector<1x128xf32>
    %broadcast_in_dim3A_518 = vector.broadcast %broadcast_in_dim3A_517 : vector<1x128xf32> to vector<1024x128xf32>
    %broadcast_in_dim3A_519 = vector.broadcast %jit3A_516 : f32 to vector<1024x128xf32>
    %select_n3A_520 = arith.select %eq3A_512, %broadcast_in_dim3A_518, %broadcast_in_dim3A_519 : vector<1024x128xi1>, vector<1024x128xf32>
    %min3A_521 = arith.minimumf %min3A_509, %select_n3A_520 : vector<1024x128xf32>
    %slice3A_522 = vector.extract_strided_slice %add3A_18 {offsets = [0, 5376], sizes = [1024, 128], strides = [1, 1]} : vector<1024x8192xf32> to vector<1024x128xf32>
    %eq3A_523 = vector.broadcast %broadcast_in_dim3A_20 : vector<1024x1xf32> to vector<1024x128xf32>
    %eq3A_524 = arith.cmpf oeq, %slice3A_522, %eq3A_523 : vector<1024x128xf32>
    %add3A_525 = arith.constant 5.376000e+03 : f32
    %add3A_526 = vector.broadcast %add3A_525 : f32 to vector<1x128xf32>
    %add3A_527 = arith.addf %get3A_23, %add3A_526 : vector<1x128xf32>
    %jit3A_528 = arith.constant 8.192000e+03 : f32
    %broadcast_in_dim3A_529 = vector.shape_cast %add3A_527 : vector<1x128xf32> to vector<1x128xf32>
    %broadcast_in_dim3A_530 = vector.broadcast %broadcast_in_dim3A_529 : vector<1x128xf32> to vector<1024x128xf32>
    %broadcast_in_dim3A_531 = vector.broadcast %jit3A_528 : f32 to vector<1024x128xf32>
    %select_n3A_532 = arith.select %eq3A_524, %broadcast_in_dim3A_530, %broadcast_in_dim3A_531 : vector<1024x128xi1>, vector<1024x128xf32>
    %min3A_533 = arith.minimumf %min3A_521, %select_n3A_532 : vector<1024x128xf32>
    %slice3A_534 = vector.extract_strided_slice %add3A_18 {offsets = [0, 5504], sizes = [1024, 128], strides = [1, 1]} : vector<1024x8192xf32> to vector<1024x128xf32>
    %eq3A_535 = vector.broadcast %broadcast_in_dim3A_20 : vector<1024x1xf32> to vector<1024x128xf32>
    %eq3A_536 = arith.cmpf oeq, %slice3A_534, %eq3A_535 : vector<1024x128xf32>
    %add3A_537 = arith.constant 5.504000e+03 : f32
    %add3A_538 = vector.broadcast %add3A_537 : f32 to vector<1x128xf32>
    %add3A_539 = arith.addf %get3A_23, %add3A_538 : vector<1x128xf32>
    %jit3A_540 = arith.constant 8.192000e+03 : f32
    %broadcast_in_dim3A_541 = vector.shape_cast %add3A_539 : vector<1x128xf32> to vector<1x128xf32>
    %broadcast_in_dim3A_542 = vector.broadcast %broadcast_in_dim3A_541 : vector<1x128xf32> to vector<1024x128xf32>
    %broadcast_in_dim3A_543 = vector.broadcast %jit3A_540 : f32 to vector<1024x128xf32>
    %select_n3A_544 = arith.select %eq3A_536, %broadcast_in_dim3A_542, %broadcast_in_dim3A_543 : vector<1024x128xi1>, vector<1024x128xf32>
    %min3A_545 = arith.minimumf %min3A_533, %select_n3A_544 : vector<1024x128xf32>
    %slice3A_546 = vector.extract_strided_slice %add3A_18 {offsets = [0, 5632], sizes = [1024, 128], strides = [1, 1]} : vector<1024x8192xf32> to vector<1024x128xf32>
    %eq3A_547 = vector.broadcast %broadcast_in_dim3A_20 : vector<1024x1xf32> to vector<1024x128xf32>
    %eq3A_548 = arith.cmpf oeq, %slice3A_546, %eq3A_547 : vector<1024x128xf32>
    %add3A_549 = arith.constant 5.632000e+03 : f32
    %add3A_550 = vector.broadcast %add3A_549 : f32 to vector<1x128xf32>
    %add3A_551 = arith.addf %get3A_23, %add3A_550 : vector<1x128xf32>
    %jit3A_552 = arith.constant 8.192000e+03 : f32
    %broadcast_in_dim3A_553 = vector.shape_cast %add3A_551 : vector<1x128xf32> to vector<1x128xf32>
    %broadcast_in_dim3A_554 = vector.broadcast %broadcast_in_dim3A_553 : vector<1x128xf32> to vector<1024x128xf32>
    %broadcast_in_dim3A_555 = vector.broadcast %jit3A_552 : f32 to vector<1024x128xf32>
    %select_n3A_556 = arith.select %eq3A_548, %broadcast_in_dim3A_554, %broadcast_in_dim3A_555 : vector<1024x128xi1>, vector<1024x128xf32>
    %min3A_557 = arith.minimumf %min3A_545, %select_n3A_556 : vector<1024x128xf32>
    %slice3A_558 = vector.extract_strided_slice %add3A_18 {offsets = [0, 5760], sizes = [1024, 128], strides = [1, 1]} : vector<1024x8192xf32> to vector<1024x128xf32>
    %eq3A_559 = vector.broadcast %broadcast_in_dim3A_20 : vector<1024x1xf32> to vector<1024x128xf32>
    %eq3A_560 = arith.cmpf oeq, %slice3A_558, %eq3A_559 : vector<1024x128xf32>
    %add3A_561 = arith.constant 5.760000e+03 : f32
    %add3A_562 = vector.broadcast %add3A_561 : f32 to vector<1x128xf32>
    %add3A_563 = arith.addf %get3A_23, %add3A_562 : vector<1x128xf32>
    %jit3A_564 = arith.constant 8.192000e+03 : f32
    %broadcast_in_dim3A_565 = vector.shape_cast %add3A_563 : vector<1x128xf32> to vector<1x128xf32>
    %broadcast_in_dim3A_566 = vector.broadcast %broadcast_in_dim3A_565 : vector<1x128xf32> to vector<1024x128xf32>
    %broadcast_in_dim3A_567 = vector.broadcast %jit3A_564 : f32 to vector<1024x128xf32>
    %select_n3A_568 = arith.select %eq3A_560, %broadcast_in_dim3A_566, %broadcast_in_dim3A_567 : vector<1024x128xi1>, vector<1024x128xf32>
    %min3A_569 = arith.minimumf %min3A_557, %select_n3A_568 : vector<1024x128xf32>
    %slice3A_570 = vector.extract_strided_slice %add3A_18 {offsets = [0, 5888], sizes = [1024, 128], strides = [1, 1]} : vector<1024x8192xf32> to vector<1024x128xf32>
    %eq3A_571 = vector.broadcast %broadcast_in_dim3A_20 : vector<1024x1xf32> to vector<1024x128xf32>
    %eq3A_572 = arith.cmpf oeq, %slice3A_570, %eq3A_571 : vector<1024x128xf32>
    %add3A_573 = arith.constant 5.888000e+03 : f32
    %add3A_574 = vector.broadcast %add3A_573 : f32 to vector<1x128xf32>
    %add3A_575 = arith.addf %get3A_23, %add3A_574 : vector<1x128xf32>
    %jit3A_576 = arith.constant 8.192000e+03 : f32
    %broadcast_in_dim3A_577 = vector.shape_cast %add3A_575 : vector<1x128xf32> to vector<1x128xf32>
    %broadcast_in_dim3A_578 = vector.broadcast %broadcast_in_dim3A_577 : vector<1x128xf32> to vector<1024x128xf32>
    %broadcast_in_dim3A_579 = vector.broadcast %jit3A_576 : f32 to vector<1024x128xf32>
    %select_n3A_580 = arith.select %eq3A_572, %broadcast_in_dim3A_578, %broadcast_in_dim3A_579 : vector<1024x128xi1>, vector<1024x128xf32>
    %min3A_581 = arith.minimumf %min3A_569, %select_n3A_580 : vector<1024x128xf32>
    %slice3A_582 = vector.extract_strided_slice %add3A_18 {offsets = [0, 6016], sizes = [1024, 128], strides = [1, 1]} : vector<1024x8192xf32> to vector<1024x128xf32>
    %eq3A_583 = vector.broadcast %broadcast_in_dim3A_20 : vector<1024x1xf32> to vector<1024x128xf32>
    %eq3A_584 = arith.cmpf oeq, %slice3A_582, %eq3A_583 : vector<1024x128xf32>
    %add3A_585 = arith.constant 6.016000e+03 : f32
    %add3A_586 = vector.broadcast %add3A_585 : f32 to vector<1x128xf32>
    %add3A_587 = arith.addf %get3A_23, %add3A_586 : vector<1x128xf32>
    %jit3A_588 = arith.constant 8.192000e+03 : f32
    %broadcast_in_dim3A_589 = vector.shape_cast %add3A_587 : vector<1x128xf32> to vector<1x128xf32>
    %broadcast_in_dim3A_590 = vector.broadcast %broadcast_in_dim3A_589 : vector<1x128xf32> to vector<1024x128xf32>
    %broadcast_in_dim3A_591 = vector.broadcast %jit3A_588 : f32 to vector<1024x128xf32>
    %select_n3A_592 = arith.select %eq3A_584, %broadcast_in_dim3A_590, %broadcast_in_dim3A_591 : vector<1024x128xi1>, vector<1024x128xf32>
    %min3A_593 = arith.minimumf %min3A_581, %select_n3A_592 : vector<1024x128xf32>
    %slice3A_594 = vector.extract_strided_slice %add3A_18 {offsets = [0, 6144], sizes = [1024, 128], strides = [1, 1]} : vector<1024x8192xf32> to vector<1024x128xf32>
    %eq3A_595 = vector.broadcast %broadcast_in_dim3A_20 : vector<1024x1xf32> to vector<1024x128xf32>
    %eq3A_596 = arith.cmpf oeq, %slice3A_594, %eq3A_595 : vector<1024x128xf32>
    %add3A_597 = arith.constant 6.144000e+03 : f32
    %add3A_598 = vector.broadcast %add3A_597 : f32 to vector<1x128xf32>
    %add3A_599 = arith.addf %get3A_23, %add3A_598 : vector<1x128xf32>
    %jit3A_600 = arith.constant 8.192000e+03 : f32
    %broadcast_in_dim3A_601 = vector.shape_cast %add3A_599 : vector<1x128xf32> to vector<1x128xf32>
    %broadcast_in_dim3A_602 = vector.broadcast %broadcast_in_dim3A_601 : vector<1x128xf32> to vector<1024x128xf32>
    %broadcast_in_dim3A_603 = vector.broadcast %jit3A_600 : f32 to vector<1024x128xf32>
    %select_n3A_604 = arith.select %eq3A_596, %broadcast_in_dim3A_602, %broadcast_in_dim3A_603 : vector<1024x128xi1>, vector<1024x128xf32>
    %min3A_605 = arith.minimumf %min3A_593, %select_n3A_604 : vector<1024x128xf32>
    %slice3A_606 = vector.extract_strided_slice %add3A_18 {offsets = [0, 6272], sizes = [1024, 128], strides = [1, 1]} : vector<1024x8192xf32> to vector<1024x128xf32>
    %eq3A_607 = vector.broadcast %broadcast_in_dim3A_20 : vector<1024x1xf32> to vector<1024x128xf32>
    %eq3A_608 = arith.cmpf oeq, %slice3A_606, %eq3A_607 : vector<1024x128xf32>
    %add3A_609 = arith.constant 6.272000e+03 : f32
    %add3A_610 = vector.broadcast %add3A_609 : f32 to vector<1x128xf32>
    %add3A_611 = arith.addf %get3A_23, %add3A_610 : vector<1x128xf32>
    %jit3A_612 = arith.constant 8.192000e+03 : f32
    %broadcast_in_dim3A_613 = vector.shape_cast %add3A_611 : vector<1x128xf32> to vector<1x128xf32>
    %broadcast_in_dim3A_614 = vector.broadcast %broadcast_in_dim3A_613 : vector<1x128xf32> to vector<1024x128xf32>
    %broadcast_in_dim3A_615 = vector.broadcast %jit3A_612 : f32 to vector<1024x128xf32>
    %select_n3A_616 = arith.select %eq3A_608, %broadcast_in_dim3A_614, %broadcast_in_dim3A_615 : vector<1024x128xi1>, vector<1024x128xf32>
    %min3A_617 = arith.minimumf %min3A_605, %select_n3A_616 : vector<1024x128xf32>
    %slice3A_618 = vector.extract_strided_slice %add3A_18 {offsets = [0, 6400], sizes = [1024, 128], strides = [1, 1]} : vector<1024x8192xf32> to vector<1024x128xf32>
    %eq3A_619 = vector.broadcast %broadcast_in_dim3A_20 : vector<1024x1xf32> to vector<1024x128xf32>
    %eq3A_620 = arith.cmpf oeq, %slice3A_618, %eq3A_619 : vector<1024x128xf32>
    %add3A_621 = arith.constant 6.400000e+03 : f32
    %add3A_622 = vector.broadcast %add3A_621 : f32 to vector<1x128xf32>
    %add3A_623 = arith.addf %get3A_23, %add3A_622 : vector<1x128xf32>
    %jit3A_624 = arith.constant 8.192000e+03 : f32
    %broadcast_in_dim3A_625 = vector.shape_cast %add3A_623 : vector<1x128xf32> to vector<1x128xf32>
    %broadcast_in_dim3A_626 = vector.broadcast %broadcast_in_dim3A_625 : vector<1x128xf32> to vector<1024x128xf32>
    %broadcast_in_dim3A_627 = vector.broadcast %jit3A_624 : f32 to vector<1024x128xf32>
    %select_n3A_628 = arith.select %eq3A_620, %broadcast_in_dim3A_626, %broadcast_in_dim3A_627 : vector<1024x128xi1>, vector<1024x128xf32>
    %min3A_629 = arith.minimumf %min3A_617, %select_n3A_628 : vector<1024x128xf32>
    %slice3A_630 = vector.extract_strided_slice %add3A_18 {offsets = [0, 6528], sizes = [1024, 128], strides = [1, 1]} : vector<1024x8192xf32> to vector<1024x128xf32>
    %eq3A_631 = vector.broadcast %broadcast_in_dim3A_20 : vector<1024x1xf32> to vector<1024x128xf32>
    %eq3A_632 = arith.cmpf oeq, %slice3A_630, %eq3A_631 : vector<1024x128xf32>
    %add3A_633 = arith.constant 6.528000e+03 : f32
    %add3A_634 = vector.broadcast %add3A_633 : f32 to vector<1x128xf32>
    %add3A_635 = arith.addf %get3A_23, %add3A_634 : vector<1x128xf32>
    %jit3A_636 = arith.constant 8.192000e+03 : f32
    %broadcast_in_dim3A_637 = vector.shape_cast %add3A_635 : vector<1x128xf32> to vector<1x128xf32>
    %broadcast_in_dim3A_638 = vector.broadcast %broadcast_in_dim3A_637 : vector<1x128xf32> to vector<1024x128xf32>
    %broadcast_in_dim3A_639 = vector.broadcast %jit3A_636 : f32 to vector<1024x128xf32>
    %select_n3A_640 = arith.select %eq3A_632, %broadcast_in_dim3A_638, %broadcast_in_dim3A_639 : vector<1024x128xi1>, vector<1024x128xf32>
    %min3A_641 = arith.minimumf %min3A_629, %select_n3A_640 : vector<1024x128xf32>
    %slice3A_642 = vector.extract_strided_slice %add3A_18 {offsets = [0, 6656], sizes = [1024, 128], strides = [1, 1]} : vector<1024x8192xf32> to vector<1024x128xf32>
    %eq3A_643 = vector.broadcast %broadcast_in_dim3A_20 : vector<1024x1xf32> to vector<1024x128xf32>
    %eq3A_644 = arith.cmpf oeq, %slice3A_642, %eq3A_643 : vector<1024x128xf32>
    %add3A_645 = arith.constant 6.656000e+03 : f32
    %add3A_646 = vector.broadcast %add3A_645 : f32 to vector<1x128xf32>
    %add3A_647 = arith.addf %get3A_23, %add3A_646 : vector<1x128xf32>
    %jit3A_648 = arith.constant 8.192000e+03 : f32
    %broadcast_in_dim3A_649 = vector.shape_cast %add3A_647 : vector<1x128xf32> to vector<1x128xf32>
    %broadcast_in_dim3A_650 = vector.broadcast %broadcast_in_dim3A_649 : vector<1x128xf32> to vector<1024x128xf32>
    %broadcast_in_dim3A_651 = vector.broadcast %jit3A_648 : f32 to vector<1024x128xf32>
    %select_n3A_652 = arith.select %eq3A_644, %broadcast_in_dim3A_650, %broadcast_in_dim3A_651 : vector<1024x128xi1>, vector<1024x128xf32>
    %min3A_653 = arith.minimumf %min3A_641, %select_n3A_652 : vector<1024x128xf32>
    %slice3A_654 = vector.extract_strided_slice %add3A_18 {offsets = [0, 6784], sizes = [1024, 128], strides = [1, 1]} : vector<1024x8192xf32> to vector<1024x128xf32>
    %eq3A_655 = vector.broadcast %broadcast_in_dim3A_20 : vector<1024x1xf32> to vector<1024x128xf32>
    %eq3A_656 = arith.cmpf oeq, %slice3A_654, %eq3A_655 : vector<1024x128xf32>
    %add3A_657 = arith.constant 6.784000e+03 : f32
    %add3A_658 = vector.broadcast %add3A_657 : f32 to vector<1x128xf32>
    %add3A_659 = arith.addf %get3A_23, %add3A_658 : vector<1x128xf32>
    %jit3A_660 = arith.constant 8.192000e+03 : f32
    %broadcast_in_dim3A_661 = vector.shape_cast %add3A_659 : vector<1x128xf32> to vector<1x128xf32>
    %broadcast_in_dim3A_662 = vector.broadcast %broadcast_in_dim3A_661 : vector<1x128xf32> to vector<1024x128xf32>
    %broadcast_in_dim3A_663 = vector.broadcast %jit3A_660 : f32 to vector<1024x128xf32>
    %select_n3A_664 = arith.select %eq3A_656, %broadcast_in_dim3A_662, %broadcast_in_dim3A_663 : vector<1024x128xi1>, vector<1024x128xf32>
    %min3A_665 = arith.minimumf %min3A_653, %select_n3A_664 : vector<1024x128xf32>
    %slice3A_666 = vector.extract_strided_slice %add3A_18 {offsets = [0, 6912], sizes = [1024, 128], strides = [1, 1]} : vector<1024x8192xf32> to vector<1024x128xf32>
    %eq3A_667 = vector.broadcast %broadcast_in_dim3A_20 : vector<1024x1xf32> to vector<1024x128xf32>
    %eq3A_668 = arith.cmpf oeq, %slice3A_666, %eq3A_667 : vector<1024x128xf32>
    %add3A_669 = arith.constant 6.912000e+03 : f32
    %add3A_670 = vector.broadcast %add3A_669 : f32 to vector<1x128xf32>
    %add3A_671 = arith.addf %get3A_23, %add3A_670 : vector<1x128xf32>
    %jit3A_672 = arith.constant 8.192000e+03 : f32
    %broadcast_in_dim3A_673 = vector.shape_cast %add3A_671 : vector<1x128xf32> to vector<1x128xf32>
    %broadcast_in_dim3A_674 = vector.broadcast %broadcast_in_dim3A_673 : vector<1x128xf32> to vector<1024x128xf32>
    %broadcast_in_dim3A_675 = vector.broadcast %jit3A_672 : f32 to vector<1024x128xf32>
    %select_n3A_676 = arith.select %eq3A_668, %broadcast_in_dim3A_674, %broadcast_in_dim3A_675 : vector<1024x128xi1>, vector<1024x128xf32>
    %min3A_677 = arith.minimumf %min3A_665, %select_n3A_676 : vector<1024x128xf32>
    %slice3A_678 = vector.extract_strided_slice %add3A_18 {offsets = [0, 7040], sizes = [1024, 128], strides = [1, 1]} : vector<1024x8192xf32> to vector<1024x128xf32>
    %eq3A_679 = vector.broadcast %broadcast_in_dim3A_20 : vector<1024x1xf32> to vector<1024x128xf32>
    %eq3A_680 = arith.cmpf oeq, %slice3A_678, %eq3A_679 : vector<1024x128xf32>
    %add3A_681 = arith.constant 7.040000e+03 : f32
    %add3A_682 = vector.broadcast %add3A_681 : f32 to vector<1x128xf32>
    %add3A_683 = arith.addf %get3A_23, %add3A_682 : vector<1x128xf32>
    %jit3A_684 = arith.constant 8.192000e+03 : f32
    %broadcast_in_dim3A_685 = vector.shape_cast %add3A_683 : vector<1x128xf32> to vector<1x128xf32>
    %broadcast_in_dim3A_686 = vector.broadcast %broadcast_in_dim3A_685 : vector<1x128xf32> to vector<1024x128xf32>
    %broadcast_in_dim3A_687 = vector.broadcast %jit3A_684 : f32 to vector<1024x128xf32>
    %select_n3A_688 = arith.select %eq3A_680, %broadcast_in_dim3A_686, %broadcast_in_dim3A_687 : vector<1024x128xi1>, vector<1024x128xf32>
    %min3A_689 = arith.minimumf %min3A_677, %select_n3A_688 : vector<1024x128xf32>
    %slice3A_690 = vector.extract_strided_slice %add3A_18 {offsets = [0, 7168], sizes = [1024, 128], strides = [1, 1]} : vector<1024x8192xf32> to vector<1024x128xf32>
    %eq3A_691 = vector.broadcast %broadcast_in_dim3A_20 : vector<1024x1xf32> to vector<1024x128xf32>
    %eq3A_692 = arith.cmpf oeq, %slice3A_690, %eq3A_691 : vector<1024x128xf32>
    %add3A_693 = arith.constant 7.168000e+03 : f32
    %add3A_694 = vector.broadcast %add3A_693 : f32 to vector<1x128xf32>
    %add3A_695 = arith.addf %get3A_23, %add3A_694 : vector<1x128xf32>
    %jit3A_696 = arith.constant 8.192000e+03 : f32
    %broadcast_in_dim3A_697 = vector.shape_cast %add3A_695 : vector<1x128xf32> to vector<1x128xf32>
    %broadcast_in_dim3A_698 = vector.broadcast %broadcast_in_dim3A_697 : vector<1x128xf32> to vector<1024x128xf32>
    %broadcast_in_dim3A_699 = vector.broadcast %jit3A_696 : f32 to vector<1024x128xf32>
    %select_n3A_700 = arith.select %eq3A_692, %broadcast_in_dim3A_698, %broadcast_in_dim3A_699 : vector<1024x128xi1>, vector<1024x128xf32>
    %min3A_701 = arith.minimumf %min3A_689, %select_n3A_700 : vector<1024x128xf32>
    %slice3A_702 = vector.extract_strided_slice %add3A_18 {offsets = [0, 7296], sizes = [1024, 128], strides = [1, 1]} : vector<1024x8192xf32> to vector<1024x128xf32>
    %eq3A_703 = vector.broadcast %broadcast_in_dim3A_20 : vector<1024x1xf32> to vector<1024x128xf32>
    %eq3A_704 = arith.cmpf oeq, %slice3A_702, %eq3A_703 : vector<1024x128xf32>
    %add3A_705 = arith.constant 7.296000e+03 : f32
    %add3A_706 = vector.broadcast %add3A_705 : f32 to vector<1x128xf32>
    %add3A_707 = arith.addf %get3A_23, %add3A_706 : vector<1x128xf32>
    %jit3A_708 = arith.constant 8.192000e+03 : f32
    %broadcast_in_dim3A_709 = vector.shape_cast %add3A_707 : vector<1x128xf32> to vector<1x128xf32>
    %broadcast_in_dim3A_710 = vector.broadcast %broadcast_in_dim3A_709 : vector<1x128xf32> to vector<1024x128xf32>
    %broadcast_in_dim3A_711 = vector.broadcast %jit3A_708 : f32 to vector<1024x128xf32>
    %select_n3A_712 = arith.select %eq3A_704, %broadcast_in_dim3A_710, %broadcast_in_dim3A_711 : vector<1024x128xi1>, vector<1024x128xf32>
    %min3A_713 = arith.minimumf %min3A_701, %select_n3A_712 : vector<1024x128xf32>
    %slice3A_714 = vector.extract_strided_slice %add3A_18 {offsets = [0, 7424], sizes = [1024, 128], strides = [1, 1]} : vector<1024x8192xf32> to vector<1024x128xf32>
    %eq3A_715 = vector.broadcast %broadcast_in_dim3A_20 : vector<1024x1xf32> to vector<1024x128xf32>
    %eq3A_716 = arith.cmpf oeq, %slice3A_714, %eq3A_715 : vector<1024x128xf32>
    %add3A_717 = arith.constant 7.424000e+03 : f32
    %add3A_718 = vector.broadcast %add3A_717 : f32 to vector<1x128xf32>
    %add3A_719 = arith.addf %get3A_23, %add3A_718 : vector<1x128xf32>
    %jit3A_720 = arith.constant 8.192000e+03 : f32
    %broadcast_in_dim3A_721 = vector.shape_cast %add3A_719 : vector<1x128xf32> to vector<1x128xf32>
    %broadcast_in_dim3A_722 = vector.broadcast %broadcast_in_dim3A_721 : vector<1x128xf32> to vector<1024x128xf32>
    %broadcast_in_dim3A_723 = vector.broadcast %jit3A_720 : f32 to vector<1024x128xf32>
    %select_n3A_724 = arith.select %eq3A_716, %broadcast_in_dim3A_722, %broadcast_in_dim3A_723 : vector<1024x128xi1>, vector<1024x128xf32>
    %min3A_725 = arith.minimumf %min3A_713, %select_n3A_724 : vector<1024x128xf32>
    %slice3A_726 = vector.extract_strided_slice %add3A_18 {offsets = [0, 7552], sizes = [1024, 128], strides = [1, 1]} : vector<1024x8192xf32> to vector<1024x128xf32>
    %eq3A_727 = vector.broadcast %broadcast_in_dim3A_20 : vector<1024x1xf32> to vector<1024x128xf32>
    %eq3A_728 = arith.cmpf oeq, %slice3A_726, %eq3A_727 : vector<1024x128xf32>
    %add3A_729 = arith.constant 7.552000e+03 : f32
    %add3A_730 = vector.broadcast %add3A_729 : f32 to vector<1x128xf32>
    %add3A_731 = arith.addf %get3A_23, %add3A_730 : vector<1x128xf32>
    %jit3A_732 = arith.constant 8.192000e+03 : f32
    %broadcast_in_dim3A_733 = vector.shape_cast %add3A_731 : vector<1x128xf32> to vector<1x128xf32>
    %broadcast_in_dim3A_734 = vector.broadcast %broadcast_in_dim3A_733 : vector<1x128xf32> to vector<1024x128xf32>
    %broadcast_in_dim3A_735 = vector.broadcast %jit3A_732 : f32 to vector<1024x128xf32>
    %select_n3A_736 = arith.select %eq3A_728, %broadcast_in_dim3A_734, %broadcast_in_dim3A_735 : vector<1024x128xi1>, vector<1024x128xf32>
    %min3A_737 = arith.minimumf %min3A_725, %select_n3A_736 : vector<1024x128xf32>
    %slice3A_738 = vector.extract_strided_slice %add3A_18 {offsets = [0, 7680], sizes = [1024, 128], strides = [1, 1]} : vector<1024x8192xf32> to vector<1024x128xf32>
    %eq3A_739 = vector.broadcast %broadcast_in_dim3A_20 : vector<1024x1xf32> to vector<1024x128xf32>
    %eq3A_740 = arith.cmpf oeq, %slice3A_738, %eq3A_739 : vector<1024x128xf32>
    %add3A_741 = arith.constant 7.680000e+03 : f32
    %add3A_742 = vector.broadcast %add3A_741 : f32 to vector<1x128xf32>
    %add3A_743 = arith.addf %get3A_23, %add3A_742 : vector<1x128xf32>
    %jit3A_744 = arith.constant 8.192000e+03 : f32
    %broadcast_in_dim3A_745 = vector.shape_cast %add3A_743 : vector<1x128xf32> to vector<1x128xf32>
    %broadcast_in_dim3A_746 = vector.broadcast %broadcast_in_dim3A_745 : vector<1x128xf32> to vector<1024x128xf32>
    %broadcast_in_dim3A_747 = vector.broadcast %jit3A_744 : f32 to vector<1024x128xf32>
    %select_n3A_748 = arith.select %eq3A_740, %broadcast_in_dim3A_746, %broadcast_in_dim3A_747 : vector<1024x128xi1>, vector<1024x128xf32>
    %min3A_749 = arith.minimumf %min3A_737, %select_n3A_748 : vector<1024x128xf32>
    %slice3A_750 = vector.extract_strided_slice %add3A_18 {offsets = [0, 7808], sizes = [1024, 128], strides = [1, 1]} : vector<1024x8192xf32> to vector<1024x128xf32>
    %eq3A_751 = vector.broadcast %broadcast_in_dim3A_20 : vector<1024x1xf32> to vector<1024x128xf32>
    %eq3A_752 = arith.cmpf oeq, %slice3A_750, %eq3A_751 : vector<1024x128xf32>
    %add3A_753 = arith.constant 7.808000e+03 : f32
    %add3A_754 = vector.broadcast %add3A_753 : f32 to vector<1x128xf32>
    %add3A_755 = arith.addf %get3A_23, %add3A_754 : vector<1x128xf32>
    %jit3A_756 = arith.constant 8.192000e+03 : f32
    %broadcast_in_dim3A_757 = vector.shape_cast %add3A_755 : vector<1x128xf32> to vector<1x128xf32>
    %broadcast_in_dim3A_758 = vector.broadcast %broadcast_in_dim3A_757 : vector<1x128xf32> to vector<1024x128xf32>
    %broadcast_in_dim3A_759 = vector.broadcast %jit3A_756 : f32 to vector<1024x128xf32>
    %select_n3A_760 = arith.select %eq3A_752, %broadcast_in_dim3A_758, %broadcast_in_dim3A_759 : vector<1024x128xi1>, vector<1024x128xf32>
    %min3A_761 = arith.minimumf %min3A_749, %select_n3A_760 : vector<1024x128xf32>
    %slice3A_762 = vector.extract_strided_slice %add3A_18 {offsets = [0, 7936], sizes = [1024, 128], strides = [1, 1]} : vector<1024x8192xf32> to vector<1024x128xf32>
    %eq3A_763 = vector.broadcast %broadcast_in_dim3A_20 : vector<1024x1xf32> to vector<1024x128xf32>
    %eq3A_764 = arith.cmpf oeq, %slice3A_762, %eq3A_763 : vector<1024x128xf32>
    %add3A_765 = arith.constant 7.936000e+03 : f32
    %add3A_766 = vector.broadcast %add3A_765 : f32 to vector<1x128xf32>
    %add3A_767 = arith.addf %get3A_23, %add3A_766 : vector<1x128xf32>
    %jit3A_768 = arith.constant 8.192000e+03 : f32
    %broadcast_in_dim3A_769 = vector.shape_cast %add3A_767 : vector<1x128xf32> to vector<1x128xf32>
    %broadcast_in_dim3A_770 = vector.broadcast %broadcast_in_dim3A_769 : vector<1x128xf32> to vector<1024x128xf32>
    %broadcast_in_dim3A_771 = vector.broadcast %jit3A_768 : f32 to vector<1024x128xf32>
    %select_n3A_772 = arith.select %eq3A_764, %broadcast_in_dim3A_770, %broadcast_in_dim3A_771 : vector<1024x128xi1>, vector<1024x128xf32>
    %min3A_773 = arith.minimumf %min3A_761, %select_n3A_772 : vector<1024x128xf32>
    %slice3A_774 = vector.extract_strided_slice %add3A_18 {offsets = [0, 8064], sizes = [1024, 128], strides = [1, 1]} : vector<1024x8192xf32> to vector<1024x128xf32>
    %eq3A_775 = vector.broadcast %broadcast_in_dim3A_20 : vector<1024x1xf32> to vector<1024x128xf32>
    %eq3A_776 = arith.cmpf oeq, %slice3A_774, %eq3A_775 : vector<1024x128xf32>
    %add3A_777 = arith.constant 8.064000e+03 : f32
    %add3A_778 = vector.broadcast %add3A_777 : f32 to vector<1x128xf32>
    %add3A_779 = arith.addf %get3A_23, %add3A_778 : vector<1x128xf32>
    %jit3A_780 = arith.constant 8.192000e+03 : f32
    %broadcast_in_dim3A_781 = vector.shape_cast %add3A_779 : vector<1x128xf32> to vector<1x128xf32>
    %broadcast_in_dim3A_782 = vector.broadcast %broadcast_in_dim3A_781 : vector<1x128xf32> to vector<1024x128xf32>
    %broadcast_in_dim3A_783 = vector.broadcast %jit3A_780 : f32 to vector<1024x128xf32>
    %select_n3A_784 = arith.select %eq3A_776, %broadcast_in_dim3A_782, %broadcast_in_dim3A_783 : vector<1024x128xi1>, vector<1024x128xf32>
    %min3A_785 = arith.minimumf %min3A_773, %select_n3A_784 : vector<1024x128xf32>
    %reduce_min3A_786 = arith.constant dense<0x7F800000> : vector<1024xf32>
    %reduce_min3A_787 = vector.multi_reduction <minimumf>, %min3A_785, %reduce_min3A_786 [1] : vector<1024x128xf32> to vector<1024xf32>
    %convert_element_type3A = arith.fptosi %reduce_min3A_787 : vector<1024xf32> to vector<1024xi32>
    %swap3A = arith.constant 0 : index
    %swap3A_788 = arith.constant 0 : index
    %swap3A_789 = arith.constant 0 : index
    %swap3A_790 = vector.load %arg4[%swap3A, %swap3A_788, %swap3A_789] : memref<1x1x1024xi32, #tpu.memory_space<vmem>>, vector<1x1x1024xi32>
    %swap3A_791 = vector.shape_cast %swap3A_790 : vector<1x1x1024xi32> to vector<1024xi32>
    %swap3A_792 = vector.shape_cast %convert_element_type3A : vector<1024xi32> to vector<1x1x1024xi32>
    tpu.vector_store %arg4[%swap3A, %swap3A_788, %swap3A_789], %swap3A_792 {strides = array<i32>} : memref<1x1x1024xi32, #tpu.memory_space<vmem>>, vector<1x1x1024xi32>,
    return
  }
  func.func @transform_0(%arg0: i32) -> (i32, i32, i32) {
    %jit3A = arith.constant 1 : i32
    %div3A = arith.divsi %arg0, %jit3A : i32
    %sign3A = arith.constant 0 : i32
    %sign3A_0 = arith.cmpi sgt, %arg0, %sign3A : i32
    %sign3A_1 = arith.extui %sign3A_0 : i1 to i32
    %sign3A_2 = arith.constant 0 : i32
    %sign3A_3 = arith.cmpi slt, %arg0, %sign3A_2 : i32
    %sign3A_4 = arith.extui %sign3A_3 : i1 to i32
    %sign3A_5 = arith.subi %sign3A_1, %sign3A_4 : i32
    %sign3A_6 = arith.constant 0 : i32
    %sign3A_7 = arith.cmpi sgt, %jit3A, %sign3A_6 : i32
    %sign3A_8 = arith.extui %sign3A_7 : i1 to i32
    %sign3A_9 = arith.constant 0 : i32
    %sign3A_10 = arith.cmpi slt, %jit3A, %sign3A_9 : i32
    %sign3A_11 = arith.extui %sign3A_10 : i1 to i32
    %sign3A_12 = arith.subi %sign3A_8, %sign3A_11 : i32
    %ne3A = arith.cmpi ne, %sign3A_5, %sign3A_12 : i32
    %rem3A = arith.remsi %arg0, %jit3A : i32
    %ne3A_13 = arith.constant 0 : i32
    %ne3A_14 = arith.cmpi ne, %rem3A, %ne3A_13 : i32
    %and3A = arith.andi %ne3A, %ne3A_14 : i1
    %sub3A = arith.constant 1 : i32
    %sub3A_15 = arith.subi %div3A, %sub3A : i32
    %select_n3A = arith.select %and3A, %sub3A_15, %div3A : i32
    %add3A = arith.constant 4 : i32
    %add3A_16 = arith.addi %add3A, %select_n3A : i32
    %jit3A_17 = arith.constant 1 : i32
    %eq3A = arith.constant 0 : i32
    %eq3A_18 = arith.cmpi eq, %jit3A_17, %eq3A : i32
    %jit3A_19 = arith.constant 1 : i32
    %select_n3A_20 = arith.select %eq3A_18, %jit3A_19, %jit3A_17 : i32
    %rem3A_21 = arith.remsi %arg0, %select_n3A_20 : i32
    %ne3A_22 = arith.constant 0 : i32
    %ne3A_23 = arith.cmpi ne, %rem3A_21, %ne3A_22 : i32
    %lt3A = arith.constant 0 : i32
    %lt3A_24 = arith.cmpi slt, %rem3A_21, %lt3A : i32
    %lt3A_25 = arith.constant 0 : i32
    %lt3A_26 = arith.cmpi slt, %select_n3A_20, %lt3A_25 : i32
    %ne3A_27 = arith.xori %lt3A_24, %lt3A_26 : i1
    %and3A_28 = arith.andi %ne3A_27, %ne3A_23 : i1
    %add3A_29 = arith.addi %rem3A_21, %select_n3A_20 : i32
    %select_n3A_30 = arith.select %and3A_28, %add3A_29, %rem3A_21 : i32
    %c0_i32 = arith.constant 0 : i32
    %c0_i32_31 = arith.constant 0 : i32
    return %add3A_16, %c0_i32, %select_n3A_30 : i32, i32, i32
  }
  func.func @transform_1(%arg0: i32) -> (i32, i32) {
    %c0_i32 = arith.constant 0 : i32
    %c0_i32_0 = arith.constant 0 : i32
    %c0_i32_1 = arith.constant 0 : i32
    return %c0_i32, %c0_i32_0 : i32, i32
  }
  func.func @transform_2(%arg0: i32) -> (i32, i32) {
    %c0_i32 = arith.constant 0 : i32
    %c0_i32_0 = arith.constant 0 : i32
    %c0_i32_1 = arith.constant 0 : i32
    return %c0_i32, %c0_i32_0 : i32, i32
  }
  func.func @transform_3(%arg0: i32) -> (i32, i32, i32) {
    %c0_i32 = arith.constant 0 : i32
    %c0_i32_0 = arith.constant 0 : i32
    %c0_i32_1 = arith.constant 0 : i32
    return %arg0, %c0_i32, %c0_i32_0 : i32, i32, i32
  }
}

module attributes {stable_mosaic.version = 14 : i64} {
  func.func @_argmin_tile_kernel(%arg0: i32, %arg1: memref<1x32x1024xf32, #tpu.memory_space<vmem>>, %arg2: memref<32x8192xf32, #tpu.memory_space<vmem>>, %arg3: memref<1x128xf32, #tpu.memory_space<vmem>>, %arg4: memref<1x1x1024xi32, #tpu.memory_space<vmem>>) attributes {dimension_semantics = [#tpu.dimension_semantics<arbitrary>], iteration_bounds = array<i64: 4>, scalar_prefetch = 0 : i64, scratch_operands = 0 : i64, tpu.core_type = #tpu.core_type<tc>, window_params = [{transform_indices = @transform_0, window_bounds = array<i64: 1, 32, 1024>}, {pipeline_mode = #tpu.pipeline_mode<synchronous>, transform_indices = @transform_1, window_bounds = array<i64: 32, 8192>}, {pipeline_mode = #tpu.pipeline_mode<synchronous>, transform_indices = @transform_2, window_bounds = array<i64: 1, 128>}, {transform_indices = @transform_3, window_bounds = array<i64: 1, 1, 1024>}]} {
    %get3A = arith.constant 0 : index
    %get3A_0 = arith.constant 0 : index
    %get3A_1 = arith.constant 0 : index
    %get3A_2 = vector.load %arg1[%get3A, %get3A_0, %get3A_1] : memref<1x32x1024xf32, #tpu.memory_space<vmem>>, vector<1x32x1024xf32>
    %get3A_3 = vector.shape_cast %get3A_2 : vector<1x32x1024xf32> to vector<32x1024xf32>
    %transpose3A = tpu.transpose %get3A_3, [1, 0] : vector<32x1024xf32> -> vector<1024x32xf32>
    %get3A_4 = arith.constant 0 : index
    %get3A_5 = arith.constant 0 : index
    %get3A_6 = vector.load %arg2[%get3A_4, %get3A_5] : memref<32x8192xf32, #tpu.memory_space<vmem>>, vector<32x8192xf32>
    %mul3A = arith.mulf %transpose3A, %transpose3A : vector<1024x32xf32>
    %reduce_sum3A = arith.constant dense<0.000000e+00> : vector<1024xf32>
    %reduce_sum3A_7 = vector.multi_reduction <add>, %mul3A, %reduce_sum3A [1] : vector<1024x32xf32> to vector<1024xf32>
    %broadcast_in_dim3A = vector.shape_cast %reduce_sum3A_7 : vector<1024xf32> to vector<1024x1xf32>
    %mul3A_8 = arith.mulf %get3A_6, %get3A_6 : vector<32x8192xf32>
    %reduce_sum3A_9 = arith.constant dense<0.000000e+00> : vector<8192xf32>
    %reduce_sum3A_10 = vector.multi_reduction <add>, %mul3A_8, %reduce_sum3A_9 [0] : vector<32x8192xf32> to vector<8192xf32>
    %broadcast_in_dim3A_11 = vector.shape_cast %reduce_sum3A_10 : vector<8192xf32> to vector<1x8192xf32>
    %mul3A_12 = arith.constant 2.500000e-01 : f32
    %mul3A_13 = vector.broadcast %mul3A_12 : f32 to vector<1x8192xf32>
    %mul3A_14 = arith.mulf %mul3A_13, %broadcast_in_dim3A_11 : vector<1x8192xf32>
    %dot_general3A = arith.constant dense<0.000000e+00> : vector<1024x8192xf32>
    %dot_general3A_15 = tpu.matmul %transpose3A, %get3A_6, %dot_general3A {dimension_numbers = #tpu.dot_dimension_numbers<[1], [0], [0], [1], [0, 0, 1, 1], [], []>, transpose_lhs_hint = false} : vector<1024x32xf32>, vector<32x8192xf32>, vector<1024x8192xf32> -> vector<1024x8192xf32>
    %add3A = vector.broadcast %broadcast_in_dim3A : vector<1024x1xf32> to vector<1024x8192xf32>
    %add3A_16 = arith.addf %add3A, %dot_general3A_15 : vector<1024x8192xf32>
    %add3A_17 = vector.broadcast %mul3A_14 : vector<1x8192xf32> to vector<1024x8192xf32>
    %add3A_18 = arith.addf %add3A_16, %add3A_17 : vector<1024x8192xf32>
    %reduce_min3A = arith.constant dense<0x7F800000> : vector<1024xf32>
    %reduce_min3A_19 = vector.multi_reduction <minimumf>, %add3A_18, %reduce_min3A [1] : vector<1024x8192xf32> to vector<1024xf32>
    %broadcast_in_dim3A_20 = vector.shape_cast %reduce_min3A_19 : vector<1024xf32> to vector<1024x1xf32>
    %get3A_21 = arith.constant 0 : index
    %get3A_22 = arith.constant 0 : index
    %get3A_23 = vector.load %arg3[%get3A_21, %get3A_22] : memref<1x128xf32, #tpu.memory_space<vmem>>, vector<1x128xf32>
    %slice3A = vector.extract_strided_slice %add3A_18 {offsets = [0, 0], sizes = [1024, 128], strides = [1, 1]} : vector<1024x8192xf32> to vector<1024x128xf32>
    %eq3A = vector.broadcast %broadcast_in_dim3A_20 : vector<1024x1xf32> to vector<1024x128xf32>
    %eq3A_24 = arith.cmpf oeq, %slice3A, %eq3A : vector<1024x128xf32>
    %add3A_25 = arith.constant 0.000000e+00 : f32
    %add3A_26 = vector.broadcast %add3A_25 : f32 to vector<1x128xf32>
    %add3A_27 = arith.addf %get3A_23, %add3A_26 : vector<1x128xf32>
    %jit3A = arith.constant 8.192000e+03 : f32
    %broadcast_in_dim3A_28 = vector.shape_cast %add3A_27 : vector<1x128xf32> to vector<1x128xf32>
    %broadcast_in_dim3A_29 = vector.broadcast %broadcast_in_dim3A_28 : vector<1x128xf32> to vector<1024x128xf32>
    %broadcast_in_dim3A_30 = vector.broadcast %jit3A : f32 to vector<1024x128xf32>
    %select_n3A = arith.select %eq3A_24, %broadcast_in_dim3A_29, %broadcast_in_dim3A_30 : vector<1024x128xi1>, vector<1024x128xf32>
    %slice3A_31 = vector.extract_strided_slice %add3A_18 {offsets = [0, 128], sizes = [1024, 128], strides = [1, 1]} : vector<1024x8192xf32> to vector<1024x128xf32>
    %eq3A_32 = vector.broadcast %broadcast_in_dim3A_20 : vector<1024x1xf32> to vector<1024x128xf32>
    %eq3A_33 = arith.cmpf oeq, %slice3A_31, %eq3A_32 : vector<1024x128xf32>
    %add3A_34 = arith.constant 1.280000e+02 : f32
    %add3A_35 = vector.broadcast %add3A_34 : f32 to vector<1x128xf32>
    %add3A_36 = arith.addf %get3A_23, %add3A_35 : vector<1x128xf32>
    %jit3A_37 = arith.constant 8.192000e+03 : f32
    %broadcast_in_dim3A_38 = vector.shape_cast %add3A_36 : vector<1x128xf32> to vector<1x128xf32>
    %broadcast_in_dim3A_39 = vector.broadcast %broadcast_in_dim3A_38 : vector<1x128xf32> to vector<1024x128xf32>
    %broadcast_in_dim3A_40 = vector.broadcast %jit3A_37 : f32 to vector<1024x128xf32>
    %select_n3A_41 = arith.select %eq3A_33, %broadcast_in_dim3A_39, %broadcast_in_dim3A_40 : vector<1024x128xi1>, vector<1024x128xf32>
    %min3A = arith.minimumf %select_n3A, %select_n3A_41 : vector<1024x128xf32>
    %slice3A_42 = vector.extract_strided_slice %add3A_18 {offsets = [0, 256], sizes = [1024, 128], strides = [1, 1]} : vector<1024x8192xf32> to vector<1024x128xf32>
    %eq3A_43 = vector.broadcast %broadcast_in_dim3A_20 : vector<1024x1xf32> to vector<1024x128xf32>
    %eq3A_44 = arith.cmpf oeq, %slice3A_42, %eq3A_43 : vector<1024x128xf32>
    %add3A_45 = arith.constant 2.560000e+02 : f32
    %add3A_46 = vector.broadcast %add3A_45 : f32 to vector<1x128xf32>
    %add3A_47 = arith.addf %get3A_23, %add3A_46 : vector<1x128xf32>
    %jit3A_48 = arith.constant 8.192000e+03 : f32
    %broadcast_in_dim3A_49 = vector.shape_cast %add3A_47 : vector<1x128xf32> to vector<1x128xf32>
    %broadcast_in_dim3A_50 = vector.broadcast %broadcast_in_dim3A_49 : vector<1x128xf32> to vector<1024x128xf32>
    %broadcast_in_dim3A_51 = vector.broadcast %jit3A_48 : f32 to vector<1024x128xf32>
    %select_n3A_52 = arith.select %eq3A_44, %broadcast_in_dim3A_50, %broadcast_in_dim3A_51 : vector<1024x128xi1>, vector<1024x128xf32>
    %min3A_53 = arith.minimumf %min3A, %select_n3A_52 : vector<1024x128xf32>
    %slice3A_54 = vector.extract_strided_slice %add3A_18 {offsets = [0, 384], sizes = [1024, 128], strides = [1, 1]} : vector<1024x8192xf32> to vector<1024x128xf32>
    %eq3A_55 = vector.broadcast %broadcast_in_dim3A_20 : vector<1024x1xf32> to vector<1024x128xf32>
    %eq3A_56 = arith.cmpf oeq, %slice3A_54, %eq3A_55 : vector<1024x128xf32>
    %add3A_57 = arith.constant 3.840000e+02 : f32
    %add3A_58 = vector.broadcast %add3A_57 : f32 to vector<1x128xf32>
    %add3A_59 = arith.addf %get3A_23, %add3A_58 : vector<1x128xf32>
    %jit3A_60 = arith.constant 8.192000e+03 : f32
    %broadcast_in_dim3A_61 = vector.shape_cast %add3A_59 : vector<1x128xf32> to vector<1x128xf32>
    %broadcast_in_dim3A_62 = vector.broadcast %broadcast_in_dim3A_61 : vector<1x128xf32> to vector<1024x128xf32>
    %broadcast_in_dim3A_63 = vector.broadcast %jit3A_60 : f32 to vector<1024x128xf32>
    %select_n3A_64 = arith.select %eq3A_56, %broadcast_in_dim3A_62, %broadcast_in_dim3A_63 : vector<1024x128xi1>, vector<1024x128xf32>
    %min3A_65 = arith.minimumf %min3A_53, %select_n3A_64 : vector<1024x128xf32>
    %slice3A_66 = vector.extract_strided_slice %add3A_18 {offsets = [0, 512], sizes = [1024, 128], strides = [1, 1]} : vector<1024x8192xf32> to vector<1024x128xf32>
    %eq3A_67 = vector.broadcast %broadcast_in_dim3A_20 : vector<1024x1xf32> to vector<1024x128xf32>
    %eq3A_68 = arith.cmpf oeq, %slice3A_66, %eq3A_67 : vector<1024x128xf32>
    %add3A_69 = arith.constant 5.120000e+02 : f32
    %add3A_70 = vector.broadcast %add3A_69 : f32 to vector<1x128xf32>
    %add3A_71 = arith.addf %get3A_23, %add3A_70 : vector<1x128xf32>
    %jit3A_72 = arith.constant 8.192000e+03 : f32
    %broadcast_in_dim3A_73 = vector.shape_cast %add3A_71 : vector<1x128xf32> to vector<1x128xf32>
    %broadcast_in_dim3A_74 = vector.broadcast %broadcast_in_dim3A_73 : vector<1x128xf32> to vector<1024x128xf32>
    %broadcast_in_dim3A_75 = vector.broadcast %jit3A_72 : f32 to vector<1024x128xf32>
    %select_n3A_76 = arith.select %eq3A_68, %broadcast_in_dim3A_74, %broadcast_in_dim3A_75 : vector<1024x128xi1>, vector<1024x128xf32>
    %min3A_77 = arith.minimumf %min3A_65, %select_n3A_76 : vector<1024x128xf32>
    %slice3A_78 = vector.extract_strided_slice %add3A_18 {offsets = [0, 640], sizes = [1024, 128], strides = [1, 1]} : vector<1024x8192xf32> to vector<1024x128xf32>
    %eq3A_79 = vector.broadcast %broadcast_in_dim3A_20 : vector<1024x1xf32> to vector<1024x128xf32>
    %eq3A_80 = arith.cmpf oeq, %slice3A_78, %eq3A_79 : vector<1024x128xf32>
    %add3A_81 = arith.constant 6.400000e+02 : f32
    %add3A_82 = vector.broadcast %add3A_81 : f32 to vector<1x128xf32>
    %add3A_83 = arith.addf %get3A_23, %add3A_82 : vector<1x128xf32>
    %jit3A_84 = arith.constant 8.192000e+03 : f32
    %broadcast_in_dim3A_85 = vector.shape_cast %add3A_83 : vector<1x128xf32> to vector<1x128xf32>
    %broadcast_in_dim3A_86 = vector.broadcast %broadcast_in_dim3A_85 : vector<1x128xf32> to vector<1024x128xf32>
    %broadcast_in_dim3A_87 = vector.broadcast %jit3A_84 : f32 to vector<1024x128xf32>
    %select_n3A_88 = arith.select %eq3A_80, %broadcast_in_dim3A_86, %broadcast_in_dim3A_87 : vector<1024x128xi1>, vector<1024x128xf32>
    %min3A_89 = arith.minimumf %min3A_77, %select_n3A_88 : vector<1024x128xf32>
    %slice3A_90 = vector.extract_strided_slice %add3A_18 {offsets = [0, 768], sizes = [1024, 128], strides = [1, 1]} : vector<1024x8192xf32> to vector<1024x128xf32>
    %eq3A_91 = vector.broadcast %broadcast_in_dim3A_20 : vector<1024x1xf32> to vector<1024x128xf32>
    %eq3A_92 = arith.cmpf oeq, %slice3A_90, %eq3A_91 : vector<1024x128xf32>
    %add3A_93 = arith.constant 7.680000e+02 : f32
    %add3A_94 = vector.broadcast %add3A_93 : f32 to vector<1x128xf32>
    %add3A_95 = arith.addf %get3A_23, %add3A_94 : vector<1x128xf32>
    %jit3A_96 = arith.constant 8.192000e+03 : f32
    %broadcast_in_dim3A_97 = vector.shape_cast %add3A_95 : vector<1x128xf32> to vector<1x128xf32>
    %broadcast_in_dim3A_98 = vector.broadcast %broadcast_in_dim3A_97 : vector<1x128xf32> to vector<1024x128xf32>
    %broadcast_in_dim3A_99 = vector.broadcast %jit3A_96 : f32 to vector<1024x128xf32>
    %select_n3A_100 = arith.select %eq3A_92, %broadcast_in_dim3A_98, %broadcast_in_dim3A_99 : vector<1024x128xi1>, vector<1024x128xf32>
    %min3A_101 = arith.minimumf %min3A_89, %select_n3A_100 : vector<1024x128xf32>
    %slice3A_102 = vector.extract_strided_slice %add3A_18 {offsets = [0, 896], sizes = [1024, 128], strides = [1, 1]} : vector<1024x8192xf32> to vector<1024x128xf32>
    %eq3A_103 = vector.broadcast %broadcast_in_dim3A_20 : vector<1024x1xf32> to vector<1024x128xf32>
    %eq3A_104 = arith.cmpf oeq, %slice3A_102, %eq3A_103 : vector<1024x128xf32>
    %add3A_105 = arith.constant 8.960000e+02 : f32
    %add3A_106 = vector.broadcast %add3A_105 : f32 to vector<1x128xf32>
    %add3A_107 = arith.addf %get3A_23, %add3A_106 : vector<1x128xf32>
    %jit3A_108 = arith.constant 8.192000e+03 : f32
    %broadcast_in_dim3A_109 = vector.shape_cast %add3A_107 : vector<1x128xf32> to vector<1x128xf32>
    %broadcast_in_dim3A_110 = vector.broadcast %broadcast_in_dim3A_109 : vector<1x128xf32> to vector<1024x128xf32>
    %broadcast_in_dim3A_111 = vector.broadcast %jit3A_108 : f32 to vector<1024x128xf32>
    %select_n3A_112 = arith.select %eq3A_104, %broadcast_in_dim3A_110, %broadcast_in_dim3A_111 : vector<1024x128xi1>, vector<1024x128xf32>
    %min3A_113 = arith.minimumf %min3A_101, %select_n3A_112 : vector<1024x128xf32>
    %slice3A_114 = vector.extract_strided_slice %add3A_18 {offsets = [0, 1024], sizes = [1024, 128], strides = [1, 1]} : vector<1024x8192xf32> to vector<1024x128xf32>
    %eq3A_115 = vector.broadcast %broadcast_in_dim3A_20 : vector<1024x1xf32> to vector<1024x128xf32>
    %eq3A_116 = arith.cmpf oeq, %slice3A_114, %eq3A_115 : vector<1024x128xf32>
    %add3A_117 = arith.constant 1.024000e+03 : f32
    %add3A_118 = vector.broadcast %add3A_117 : f32 to vector<1x128xf32>
    %add3A_119 = arith.addf %get3A_23, %add3A_118 : vector<1x128xf32>
    %jit3A_120 = arith.constant 8.192000e+03 : f32
    %broadcast_in_dim3A_121 = vector.shape_cast %add3A_119 : vector<1x128xf32> to vector<1x128xf32>
    %broadcast_in_dim3A_122 = vector.broadcast %broadcast_in_dim3A_121 : vector<1x128xf32> to vector<1024x128xf32>
    %broadcast_in_dim3A_123 = vector.broadcast %jit3A_120 : f32 to vector<1024x128xf32>
    %select_n3A_124 = arith.select %eq3A_116, %broadcast_in_dim3A_122, %broadcast_in_dim3A_123 : vector<1024x128xi1>, vector<1024x128xf32>
    %min3A_125 = arith.minimumf %min3A_113, %select_n3A_124 : vector<1024x128xf32>
    %slice3A_126 = vector.extract_strided_slice %add3A_18 {offsets = [0, 1152], sizes = [1024, 128], strides = [1, 1]} : vector<1024x8192xf32> to vector<1024x128xf32>
    %eq3A_127 = vector.broadcast %broadcast_in_dim3A_20 : vector<1024x1xf32> to vector<1024x128xf32>
    %eq3A_128 = arith.cmpf oeq, %slice3A_126, %eq3A_127 : vector<1024x128xf32>
    %add3A_129 = arith.constant 1.152000e+03 : f32
    %add3A_130 = vector.broadcast %add3A_129 : f32 to vector<1x128xf32>
    %add3A_131 = arith.addf %get3A_23, %add3A_130 : vector<1x128xf32>
    %jit3A_132 = arith.constant 8.192000e+03 : f32
    %broadcast_in_dim3A_133 = vector.shape_cast %add3A_131 : vector<1x128xf32> to vector<1x128xf32>
    %broadcast_in_dim3A_134 = vector.broadcast %broadcast_in_dim3A_133 : vector<1x128xf32> to vector<1024x128xf32>
    %broadcast_in_dim3A_135 = vector.broadcast %jit3A_132 : f32 to vector<1024x128xf32>
    %select_n3A_136 = arith.select %eq3A_128, %broadcast_in_dim3A_134, %broadcast_in_dim3A_135 : vector<1024x128xi1>, vector<1024x128xf32>
    %min3A_137 = arith.minimumf %min3A_125, %select_n3A_136 : vector<1024x128xf32>
    %slice3A_138 = vector.extract_strided_slice %add3A_18 {offsets = [0, 1280], sizes = [1024, 128], strides = [1, 1]} : vector<1024x8192xf32> to vector<1024x128xf32>
    %eq3A_139 = vector.broadcast %broadcast_in_dim3A_20 : vector<1024x1xf32> to vector<1024x128xf32>
    %eq3A_140 = arith.cmpf oeq, %slice3A_138, %eq3A_139 : vector<1024x128xf32>
    %add3A_141 = arith.constant 1.280000e+03 : f32
    %add3A_142 = vector.broadcast %add3A_141 : f32 to vector<1x128xf32>
    %add3A_143 = arith.addf %get3A_23, %add3A_142 : vector<1x128xf32>
    %jit3A_144 = arith.constant 8.192000e+03 : f32
    %broadcast_in_dim3A_145 = vector.shape_cast %add3A_143 : vector<1x128xf32> to vector<1x128xf32>
    %broadcast_in_dim3A_146 = vector.broadcast %broadcast_in_dim3A_145 : vector<1x128xf32> to vector<1024x128xf32>
    %broadcast_in_dim3A_147 = vector.broadcast %jit3A_144 : f32 to vector<1024x128xf32>
    %select_n3A_148 = arith.select %eq3A_140, %broadcast_in_dim3A_146, %broadcast_in_dim3A_147 : vector<1024x128xi1>, vector<1024x128xf32>
    %min3A_149 = arith.minimumf %min3A_137, %select_n3A_148 : vector<1024x128xf32>
    %slice3A_150 = vector.extract_strided_slice %add3A_18 {offsets = [0, 1408], sizes = [1024, 128], strides = [1, 1]} : vector<1024x8192xf32> to vector<1024x128xf32>
    %eq3A_151 = vector.broadcast %broadcast_in_dim3A_20 : vector<1024x1xf32> to vector<1024x128xf32>
    %eq3A_152 = arith.cmpf oeq, %slice3A_150, %eq3A_151 : vector<1024x128xf32>
    %add3A_153 = arith.constant 1.408000e+03 : f32
    %add3A_154 = vector.broadcast %add3A_153 : f32 to vector<1x128xf32>
    %add3A_155 = arith.addf %get3A_23, %add3A_154 : vector<1x128xf32>
    %jit3A_156 = arith.constant 8.192000e+03 : f32
    %broadcast_in_dim3A_157 = vector.shape_cast %add3A_155 : vector<1x128xf32> to vector<1x128xf32>
    %broadcast_in_dim3A_158 = vector.broadcast %broadcast_in_dim3A_157 : vector<1x128xf32> to vector<1024x128xf32>
    %broadcast_in_dim3A_159 = vector.broadcast %jit3A_156 : f32 to vector<1024x128xf32>
    %select_n3A_160 = arith.select %eq3A_152, %broadcast_in_dim3A_158, %broadcast_in_dim3A_159 : vector<1024x128xi1>, vector<1024x128xf32>
    %min3A_161 = arith.minimumf %min3A_149, %select_n3A_160 : vector<1024x128xf32>
    %slice3A_162 = vector.extract_strided_slice %add3A_18 {offsets = [0, 1536], sizes = [1024, 128], strides = [1, 1]} : vector<1024x8192xf32> to vector<1024x128xf32>
    %eq3A_163 = vector.broadcast %broadcast_in_dim3A_20 : vector<1024x1xf32> to vector<1024x128xf32>
    %eq3A_164 = arith.cmpf oeq, %slice3A_162, %eq3A_163 : vector<1024x128xf32>
    %add3A_165 = arith.constant 1.536000e+03 : f32
    %add3A_166 = vector.broadcast %add3A_165 : f32 to vector<1x128xf32>
    %add3A_167 = arith.addf %get3A_23, %add3A_166 : vector<1x128xf32>
    %jit3A_168 = arith.constant 8.192000e+03 : f32
    %broadcast_in_dim3A_169 = vector.shape_cast %add3A_167 : vector<1x128xf32> to vector<1x128xf32>
    %broadcast_in_dim3A_170 = vector.broadcast %broadcast_in_dim3A_169 : vector<1x128xf32> to vector<1024x128xf32>
    %broadcast_in_dim3A_171 = vector.broadcast %jit3A_168 : f32 to vector<1024x128xf32>
    %select_n3A_172 = arith.select %eq3A_164, %broadcast_in_dim3A_170, %broadcast_in_dim3A_171 : vector<1024x128xi1>, vector<1024x128xf32>
    %min3A_173 = arith.minimumf %min3A_161, %select_n3A_172 : vector<1024x128xf32>
    %slice3A_174 = vector.extract_strided_slice %add3A_18 {offsets = [0, 1664], sizes = [1024, 128], strides = [1, 1]} : vector<1024x8192xf32> to vector<1024x128xf32>
    %eq3A_175 = vector.broadcast %broadcast_in_dim3A_20 : vector<1024x1xf32> to vector<1024x128xf32>
    %eq3A_176 = arith.cmpf oeq, %slice3A_174, %eq3A_175 : vector<1024x128xf32>
    %add3A_177 = arith.constant 1.664000e+03 : f32
    %add3A_178 = vector.broadcast %add3A_177 : f32 to vector<1x128xf32>
    %add3A_179 = arith.addf %get3A_23, %add3A_178 : vector<1x128xf32>
    %jit3A_180 = arith.constant 8.192000e+03 : f32
    %broadcast_in_dim3A_181 = vector.shape_cast %add3A_179 : vector<1x128xf32> to vector<1x128xf32>
    %broadcast_in_dim3A_182 = vector.broadcast %broadcast_in_dim3A_181 : vector<1x128xf32> to vector<1024x128xf32>
    %broadcast_in_dim3A_183 = vector.broadcast %jit3A_180 : f32 to vector<1024x128xf32>
    %select_n3A_184 = arith.select %eq3A_176, %broadcast_in_dim3A_182, %broadcast_in_dim3A_183 : vector<1024x128xi1>, vector<1024x128xf32>
    %min3A_185 = arith.minimumf %min3A_173, %select_n3A_184 : vector<1024x128xf32>
    %slice3A_186 = vector.extract_strided_slice %add3A_18 {offsets = [0, 1792], sizes = [1024, 128], strides = [1, 1]} : vector<1024x8192xf32> to vector<1024x128xf32>
    %eq3A_187 = vector.broadcast %broadcast_in_dim3A_20 : vector<1024x1xf32> to vector<1024x128xf32>
    %eq3A_188 = arith.cmpf oeq, %slice3A_186, %eq3A_187 : vector<1024x128xf32>
    %add3A_189 = arith.constant 1.792000e+03 : f32
    %add3A_190 = vector.broadcast %add3A_189 : f32 to vector<1x128xf32>
    %add3A_191 = arith.addf %get3A_23, %add3A_190 : vector<1x128xf32>
    %jit3A_192 = arith.constant 8.192000e+03 : f32
    %broadcast_in_dim3A_193 = vector.shape_cast %add3A_191 : vector<1x128xf32> to vector<1x128xf32>
    %broadcast_in_dim3A_194 = vector.broadcast %broadcast_in_dim3A_193 : vector<1x128xf32> to vector<1024x128xf32>
    %broadcast_in_dim3A_195 = vector.broadcast %jit3A_192 : f32 to vector<1024x128xf32>
    %select_n3A_196 = arith.select %eq3A_188, %broadcast_in_dim3A_194, %broadcast_in_dim3A_195 : vector<1024x128xi1>, vector<1024x128xf32>
    %min3A_197 = arith.minimumf %min3A_185, %select_n3A_196 : vector<1024x128xf32>
    %slice3A_198 = vector.extract_strided_slice %add3A_18 {offsets = [0, 1920], sizes = [1024, 128], strides = [1, 1]} : vector<1024x8192xf32> to vector<1024x128xf32>
    %eq3A_199 = vector.broadcast %broadcast_in_dim3A_20 : vector<1024x1xf32> to vector<1024x128xf32>
    %eq3A_200 = arith.cmpf oeq, %slice3A_198, %eq3A_199 : vector<1024x128xf32>
    %add3A_201 = arith.constant 1.920000e+03 : f32
    %add3A_202 = vector.broadcast %add3A_201 : f32 to vector<1x128xf32>
    %add3A_203 = arith.addf %get3A_23, %add3A_202 : vector<1x128xf32>
    %jit3A_204 = arith.constant 8.192000e+03 : f32
    %broadcast_in_dim3A_205 = vector.shape_cast %add3A_203 : vector<1x128xf32> to vector<1x128xf32>
    %broadcast_in_dim3A_206 = vector.broadcast %broadcast_in_dim3A_205 : vector<1x128xf32> to vector<1024x128xf32>
    %broadcast_in_dim3A_207 = vector.broadcast %jit3A_204 : f32 to vector<1024x128xf32>
    %select_n3A_208 = arith.select %eq3A_200, %broadcast_in_dim3A_206, %broadcast_in_dim3A_207 : vector<1024x128xi1>, vector<1024x128xf32>
    %min3A_209 = arith.minimumf %min3A_197, %select_n3A_208 : vector<1024x128xf32>
    %slice3A_210 = vector.extract_strided_slice %add3A_18 {offsets = [0, 2048], sizes = [1024, 128], strides = [1, 1]} : vector<1024x8192xf32> to vector<1024x128xf32>
    %eq3A_211 = vector.broadcast %broadcast_in_dim3A_20 : vector<1024x1xf32> to vector<1024x128xf32>
    %eq3A_212 = arith.cmpf oeq, %slice3A_210, %eq3A_211 : vector<1024x128xf32>
    %add3A_213 = arith.constant 2.048000e+03 : f32
    %add3A_214 = vector.broadcast %add3A_213 : f32 to vector<1x128xf32>
    %add3A_215 = arith.addf %get3A_23, %add3A_214 : vector<1x128xf32>
    %jit3A_216 = arith.constant 8.192000e+03 : f32
    %broadcast_in_dim3A_217 = vector.shape_cast %add3A_215 : vector<1x128xf32> to vector<1x128xf32>
    %broadcast_in_dim3A_218 = vector.broadcast %broadcast_in_dim3A_217 : vector<1x128xf32> to vector<1024x128xf32>
    %broadcast_in_dim3A_219 = vector.broadcast %jit3A_216 : f32 to vector<1024x128xf32>
    %select_n3A_220 = arith.select %eq3A_212, %broadcast_in_dim3A_218, %broadcast_in_dim3A_219 : vector<1024x128xi1>, vector<1024x128xf32>
    %min3A_221 = arith.minimumf %min3A_209, %select_n3A_220 : vector<1024x128xf32>
    %slice3A_222 = vector.extract_strided_slice %add3A_18 {offsets = [0, 2176], sizes = [1024, 128], strides = [1, 1]} : vector<1024x8192xf32> to vector<1024x128xf32>
    %eq3A_223 = vector.broadcast %broadcast_in_dim3A_20 : vector<1024x1xf32> to vector<1024x128xf32>
    %eq3A_224 = arith.cmpf oeq, %slice3A_222, %eq3A_223 : vector<1024x128xf32>
    %add3A_225 = arith.constant 2.176000e+03 : f32
    %add3A_226 = vector.broadcast %add3A_225 : f32 to vector<1x128xf32>
    %add3A_227 = arith.addf %get3A_23, %add3A_226 : vector<1x128xf32>
    %jit3A_228 = arith.constant 8.192000e+03 : f32
    %broadcast_in_dim3A_229 = vector.shape_cast %add3A_227 : vector<1x128xf32> to vector<1x128xf32>
    %broadcast_in_dim3A_230 = vector.broadcast %broadcast_in_dim3A_229 : vector<1x128xf32> to vector<1024x128xf32>
    %broadcast_in_dim3A_231 = vector.broadcast %jit3A_228 : f32 to vector<1024x128xf32>
    %select_n3A_232 = arith.select %eq3A_224, %broadcast_in_dim3A_230, %broadcast_in_dim3A_231 : vector<1024x128xi1>, vector<1024x128xf32>
    %min3A_233 = arith.minimumf %min3A_221, %select_n3A_232 : vector<1024x128xf32>
    %slice3A_234 = vector.extract_strided_slice %add3A_18 {offsets = [0, 2304], sizes = [1024, 128], strides = [1, 1]} : vector<1024x8192xf32> to vector<1024x128xf32>
    %eq3A_235 = vector.broadcast %broadcast_in_dim3A_20 : vector<1024x1xf32> to vector<1024x128xf32>
    %eq3A_236 = arith.cmpf oeq, %slice3A_234, %eq3A_235 : vector<1024x128xf32>
    %add3A_237 = arith.constant 2.304000e+03 : f32
    %add3A_238 = vector.broadcast %add3A_237 : f32 to vector<1x128xf32>
    %add3A_239 = arith.addf %get3A_23, %add3A_238 : vector<1x128xf32>
    %jit3A_240 = arith.constant 8.192000e+03 : f32
    %broadcast_in_dim3A_241 = vector.shape_cast %add3A_239 : vector<1x128xf32> to vector<1x128xf32>
    %broadcast_in_dim3A_242 = vector.broadcast %broadcast_in_dim3A_241 : vector<1x128xf32> to vector<1024x128xf32>
    %broadcast_in_dim3A_243 = vector.broadcast %jit3A_240 : f32 to vector<1024x128xf32>
    %select_n3A_244 = arith.select %eq3A_236, %broadcast_in_dim3A_242, %broadcast_in_dim3A_243 : vector<1024x128xi1>, vector<1024x128xf32>
    %min3A_245 = arith.minimumf %min3A_233, %select_n3A_244 : vector<1024x128xf32>
    %slice3A_246 = vector.extract_strided_slice %add3A_18 {offsets = [0, 2432], sizes = [1024, 128], strides = [1, 1]} : vector<1024x8192xf32> to vector<1024x128xf32>
    %eq3A_247 = vector.broadcast %broadcast_in_dim3A_20 : vector<1024x1xf32> to vector<1024x128xf32>
    %eq3A_248 = arith.cmpf oeq, %slice3A_246, %eq3A_247 : vector<1024x128xf32>
    %add3A_249 = arith.constant 2.432000e+03 : f32
    %add3A_250 = vector.broadcast %add3A_249 : f32 to vector<1x128xf32>
    %add3A_251 = arith.addf %get3A_23, %add3A_250 : vector<1x128xf32>
    %jit3A_252 = arith.constant 8.192000e+03 : f32
    %broadcast_in_dim3A_253 = vector.shape_cast %add3A_251 : vector<1x128xf32> to vector<1x128xf32>
    %broadcast_in_dim3A_254 = vector.broadcast %broadcast_in_dim3A_253 : vector<1x128xf32> to vector<1024x128xf32>
    %broadcast_in_dim3A_255 = vector.broadcast %jit3A_252 : f32 to vector<1024x128xf32>
    %select_n3A_256 = arith.select %eq3A_248, %broadcast_in_dim3A_254, %broadcast_in_dim3A_255 : vector<1024x128xi1>, vector<1024x128xf32>
    %min3A_257 = arith.minimumf %min3A_245, %select_n3A_256 : vector<1024x128xf32>
    %slice3A_258 = vector.extract_strided_slice %add3A_18 {offsets = [0, 2560], sizes = [1024, 128], strides = [1, 1]} : vector<1024x8192xf32> to vector<1024x128xf32>
    %eq3A_259 = vector.broadcast %broadcast_in_dim3A_20 : vector<1024x1xf32> to vector<1024x128xf32>
    %eq3A_260 = arith.cmpf oeq, %slice3A_258, %eq3A_259 : vector<1024x128xf32>
    %add3A_261 = arith.constant 2.560000e+03 : f32
    %add3A_262 = vector.broadcast %add3A_261 : f32 to vector<1x128xf32>
    %add3A_263 = arith.addf %get3A_23, %add3A_262 : vector<1x128xf32>
    %jit3A_264 = arith.constant 8.192000e+03 : f32
    %broadcast_in_dim3A_265 = vector.shape_cast %add3A_263 : vector<1x128xf32> to vector<1x128xf32>
    %broadcast_in_dim3A_266 = vector.broadcast %broadcast_in_dim3A_265 : vector<1x128xf32> to vector<1024x128xf32>
    %broadcast_in_dim3A_267 = vector.broadcast %jit3A_264 : f32 to vector<1024x128xf32>
    %select_n3A_268 = arith.select %eq3A_260, %broadcast_in_dim3A_266, %broadcast_in_dim3A_267 : vector<1024x128xi1>, vector<1024x128xf32>
    %min3A_269 = arith.minimumf %min3A_257, %select_n3A_268 : vector<1024x128xf32>
    %slice3A_270 = vector.extract_strided_slice %add3A_18 {offsets = [0, 2688], sizes = [1024, 128], strides = [1, 1]} : vector<1024x8192xf32> to vector<1024x128xf32>
    %eq3A_271 = vector.broadcast %broadcast_in_dim3A_20 : vector<1024x1xf32> to vector<1024x128xf32>
    %eq3A_272 = arith.cmpf oeq, %slice3A_270, %eq3A_271 : vector<1024x128xf32>
    %add3A_273 = arith.constant 2.688000e+03 : f32
    %add3A_274 = vector.broadcast %add3A_273 : f32 to vector<1x128xf32>
    %add3A_275 = arith.addf %get3A_23, %add3A_274 : vector<1x128xf32>
    %jit3A_276 = arith.constant 8.192000e+03 : f32
    %broadcast_in_dim3A_277 = vector.shape_cast %add3A_275 : vector<1x128xf32> to vector<1x128xf32>
    %broadcast_in_dim3A_278 = vector.broadcast %broadcast_in_dim3A_277 : vector<1x128xf32> to vector<1024x128xf32>
    %broadcast_in_dim3A_279 = vector.broadcast %jit3A_276 : f32 to vector<1024x128xf32>
    %select_n3A_280 = arith.select %eq3A_272, %broadcast_in_dim3A_278, %broadcast_in_dim3A_279 : vector<1024x128xi1>, vector<1024x128xf32>
    %min3A_281 = arith.minimumf %min3A_269, %select_n3A_280 : vector<1024x128xf32>
    %slice3A_282 = vector.extract_strided_slice %add3A_18 {offsets = [0, 2816], sizes = [1024, 128], strides = [1, 1]} : vector<1024x8192xf32> to vector<1024x128xf32>
    %eq3A_283 = vector.broadcast %broadcast_in_dim3A_20 : vector<1024x1xf32> to vector<1024x128xf32>
    %eq3A_284 = arith.cmpf oeq, %slice3A_282, %eq3A_283 : vector<1024x128xf32>
    %add3A_285 = arith.constant 2.816000e+03 : f32
    %add3A_286 = vector.broadcast %add3A_285 : f32 to vector<1x128xf32>
    %add3A_287 = arith.addf %get3A_23, %add3A_286 : vector<1x128xf32>
    %jit3A_288 = arith.constant 8.192000e+03 : f32
    %broadcast_in_dim3A_289 = vector.shape_cast %add3A_287 : vector<1x128xf32> to vector<1x128xf32>
    %broadcast_in_dim3A_290 = vector.broadcast %broadcast_in_dim3A_289 : vector<1x128xf32> to vector<1024x128xf32>
    %broadcast_in_dim3A_291 = vector.broadcast %jit3A_288 : f32 to vector<1024x128xf32>
    %select_n3A_292 = arith.select %eq3A_284, %broadcast_in_dim3A_290, %broadcast_in_dim3A_291 : vector<1024x128xi1>, vector<1024x128xf32>
    %min3A_293 = arith.minimumf %min3A_281, %select_n3A_292 : vector<1024x128xf32>
    %slice3A_294 = vector.extract_strided_slice %add3A_18 {offsets = [0, 2944], sizes = [1024, 128], strides = [1, 1]} : vector<1024x8192xf32> to vector<1024x128xf32>
    %eq3A_295 = vector.broadcast %broadcast_in_dim3A_20 : vector<1024x1xf32> to vector<1024x128xf32>
    %eq3A_296 = arith.cmpf oeq, %slice3A_294, %eq3A_295 : vector<1024x128xf32>
    %add3A_297 = arith.constant 2.944000e+03 : f32
    %add3A_298 = vector.broadcast %add3A_297 : f32 to vector<1x128xf32>
    %add3A_299 = arith.addf %get3A_23, %add3A_298 : vector<1x128xf32>
    %jit3A_300 = arith.constant 8.192000e+03 : f32
    %broadcast_in_dim3A_301 = vector.shape_cast %add3A_299 : vector<1x128xf32> to vector<1x128xf32>
    %broadcast_in_dim3A_302 = vector.broadcast %broadcast_in_dim3A_301 : vector<1x128xf32> to vector<1024x128xf32>
    %broadcast_in_dim3A_303 = vector.broadcast %jit3A_300 : f32 to vector<1024x128xf32>
    %select_n3A_304 = arith.select %eq3A_296, %broadcast_in_dim3A_302, %broadcast_in_dim3A_303 : vector<1024x128xi1>, vector<1024x128xf32>
    %min3A_305 = arith.minimumf %min3A_293, %select_n3A_304 : vector<1024x128xf32>
    %slice3A_306 = vector.extract_strided_slice %add3A_18 {offsets = [0, 3072], sizes = [1024, 128], strides = [1, 1]} : vector<1024x8192xf32> to vector<1024x128xf32>
    %eq3A_307 = vector.broadcast %broadcast_in_dim3A_20 : vector<1024x1xf32> to vector<1024x128xf32>
    %eq3A_308 = arith.cmpf oeq, %slice3A_306, %eq3A_307 : vector<1024x128xf32>
    %add3A_309 = arith.constant 3.072000e+03 : f32
    %add3A_310 = vector.broadcast %add3A_309 : f32 to vector<1x128xf32>
    %add3A_311 = arith.addf %get3A_23, %add3A_310 : vector<1x128xf32>
    %jit3A_312 = arith.constant 8.192000e+03 : f32
    %broadcast_in_dim3A_313 = vector.shape_cast %add3A_311 : vector<1x128xf32> to vector<1x128xf32>
    %broadcast_in_dim3A_314 = vector.broadcast %broadcast_in_dim3A_313 : vector<1x128xf32> to vector<1024x128xf32>
    %broadcast_in_dim3A_315 = vector.broadcast %jit3A_312 : f32 to vector<1024x128xf32>
    %select_n3A_316 = arith.select %eq3A_308, %broadcast_in_dim3A_314, %broadcast_in_dim3A_315 : vector<1024x128xi1>, vector<1024x128xf32>
    %min3A_317 = arith.minimumf %min3A_305, %select_n3A_316 : vector<1024x128xf32>
    %slice3A_318 = vector.extract_strided_slice %add3A_18 {offsets = [0, 3200], sizes = [1024, 128], strides = [1, 1]} : vector<1024x8192xf32> to vector<1024x128xf32>
    %eq3A_319 = vector.broadcast %broadcast_in_dim3A_20 : vector<1024x1xf32> to vector<1024x128xf32>
    %eq3A_320 = arith.cmpf oeq, %slice3A_318, %eq3A_319 : vector<1024x128xf32>
    %add3A_321 = arith.constant 3.200000e+03 : f32
    %add3A_322 = vector.broadcast %add3A_321 : f32 to vector<1x128xf32>
    %add3A_323 = arith.addf %get3A_23, %add3A_322 : vector<1x128xf32>
    %jit3A_324 = arith.constant 8.192000e+03 : f32
    %broadcast_in_dim3A_325 = vector.shape_cast %add3A_323 : vector<1x128xf32> to vector<1x128xf32>
    %broadcast_in_dim3A_326 = vector.broadcast %broadcast_in_dim3A_325 : vector<1x128xf32> to vector<1024x128xf32>
    %broadcast_in_dim3A_327 = vector.broadcast %jit3A_324 : f32 to vector<1024x128xf32>
    %select_n3A_328 = arith.select %eq3A_320, %broadcast_in_dim3A_326, %broadcast_in_dim3A_327 : vector<1024x128xi1>, vector<1024x128xf32>
    %min3A_329 = arith.minimumf %min3A_317, %select_n3A_328 : vector<1024x128xf32>
    %slice3A_330 = vector.extract_strided_slice %add3A_18 {offsets = [0, 3328], sizes = [1024, 128], strides = [1, 1]} : vector<1024x8192xf32> to vector<1024x128xf32>
    %eq3A_331 = vector.broadcast %broadcast_in_dim3A_20 : vector<1024x1xf32> to vector<1024x128xf32>
    %eq3A_332 = arith.cmpf oeq, %slice3A_330, %eq3A_331 : vector<1024x128xf32>
    %add3A_333 = arith.constant 3.328000e+03 : f32
    %add3A_334 = vector.broadcast %add3A_333 : f32 to vector<1x128xf32>
    %add3A_335 = arith.addf %get3A_23, %add3A_334 : vector<1x128xf32>
    %jit3A_336 = arith.constant 8.192000e+03 : f32
    %broadcast_in_dim3A_337 = vector.shape_cast %add3A_335 : vector<1x128xf32> to vector<1x128xf32>
    %broadcast_in_dim3A_338 = vector.broadcast %broadcast_in_dim3A_337 : vector<1x128xf32> to vector<1024x128xf32>
    %broadcast_in_dim3A_339 = vector.broadcast %jit3A_336 : f32 to vector<1024x128xf32>
    %select_n3A_340 = arith.select %eq3A_332, %broadcast_in_dim3A_338, %broadcast_in_dim3A_339 : vector<1024x128xi1>, vector<1024x128xf32>
    %min3A_341 = arith.minimumf %min3A_329, %select_n3A_340 : vector<1024x128xf32>
    %slice3A_342 = vector.extract_strided_slice %add3A_18 {offsets = [0, 3456], sizes = [1024, 128], strides = [1, 1]} : vector<1024x8192xf32> to vector<1024x128xf32>
    %eq3A_343 = vector.broadcast %broadcast_in_dim3A_20 : vector<1024x1xf32> to vector<1024x128xf32>
    %eq3A_344 = arith.cmpf oeq, %slice3A_342, %eq3A_343 : vector<1024x128xf32>
    %add3A_345 = arith.constant 3.456000e+03 : f32
    %add3A_346 = vector.broadcast %add3A_345 : f32 to vector<1x128xf32>
    %add3A_347 = arith.addf %get3A_23, %add3A_346 : vector<1x128xf32>
    %jit3A_348 = arith.constant 8.192000e+03 : f32
    %broadcast_in_dim3A_349 = vector.shape_cast %add3A_347 : vector<1x128xf32> to vector<1x128xf32>
    %broadcast_in_dim3A_350 = vector.broadcast %broadcast_in_dim3A_349 : vector<1x128xf32> to vector<1024x128xf32>
    %broadcast_in_dim3A_351 = vector.broadcast %jit3A_348 : f32 to vector<1024x128xf32>
    %select_n3A_352 = arith.select %eq3A_344, %broadcast_in_dim3A_350, %broadcast_in_dim3A_351 : vector<1024x128xi1>, vector<1024x128xf32>
    %min3A_353 = arith.minimumf %min3A_341, %select_n3A_352 : vector<1024x128xf32>
    %slice3A_354 = vector.extract_strided_slice %add3A_18 {offsets = [0, 3584], sizes = [1024, 128], strides = [1, 1]} : vector<1024x8192xf32> to vector<1024x128xf32>
    %eq3A_355 = vector.broadcast %broadcast_in_dim3A_20 : vector<1024x1xf32> to vector<1024x128xf32>
    %eq3A_356 = arith.cmpf oeq, %slice3A_354, %eq3A_355 : vector<1024x128xf32>
    %add3A_357 = arith.constant 3.584000e+03 : f32
    %add3A_358 = vector.broadcast %add3A_357 : f32 to vector<1x128xf32>
    %add3A_359 = arith.addf %get3A_23, %add3A_358 : vector<1x128xf32>
    %jit3A_360 = arith.constant 8.192000e+03 : f32
    %broadcast_in_dim3A_361 = vector.shape_cast %add3A_359 : vector<1x128xf32> to vector<1x128xf32>
    %broadcast_in_dim3A_362 = vector.broadcast %broadcast_in_dim3A_361 : vector<1x128xf32> to vector<1024x128xf32>
    %broadcast_in_dim3A_363 = vector.broadcast %jit3A_360 : f32 to vector<1024x128xf32>
    %select_n3A_364 = arith.select %eq3A_356, %broadcast_in_dim3A_362, %broadcast_in_dim3A_363 : vector<1024x128xi1>, vector<1024x128xf32>
    %min3A_365 = arith.minimumf %min3A_353, %select_n3A_364 : vector<1024x128xf32>
    %slice3A_366 = vector.extract_strided_slice %add3A_18 {offsets = [0, 3712], sizes = [1024, 128], strides = [1, 1]} : vector<1024x8192xf32> to vector<1024x128xf32>
    %eq3A_367 = vector.broadcast %broadcast_in_dim3A_20 : vector<1024x1xf32> to vector<1024x128xf32>
    %eq3A_368 = arith.cmpf oeq, %slice3A_366, %eq3A_367 : vector<1024x128xf32>
    %add3A_369 = arith.constant 3.712000e+03 : f32
    %add3A_370 = vector.broadcast %add3A_369 : f32 to vector<1x128xf32>
    %add3A_371 = arith.addf %get3A_23, %add3A_370 : vector<1x128xf32>
    %jit3A_372 = arith.constant 8.192000e+03 : f32
    %broadcast_in_dim3A_373 = vector.shape_cast %add3A_371 : vector<1x128xf32> to vector<1x128xf32>
    %broadcast_in_dim3A_374 = vector.broadcast %broadcast_in_dim3A_373 : vector<1x128xf32> to vector<1024x128xf32>
    %broadcast_in_dim3A_375 = vector.broadcast %jit3A_372 : f32 to vector<1024x128xf32>
    %select_n3A_376 = arith.select %eq3A_368, %broadcast_in_dim3A_374, %broadcast_in_dim3A_375 : vector<1024x128xi1>, vector<1024x128xf32>
    %min3A_377 = arith.minimumf %min3A_365, %select_n3A_376 : vector<1024x128xf32>
    %slice3A_378 = vector.extract_strided_slice %add3A_18 {offsets = [0, 3840], sizes = [1024, 128], strides = [1, 1]} : vector<1024x8192xf32> to vector<1024x128xf32>
    %eq3A_379 = vector.broadcast %broadcast_in_dim3A_20 : vector<1024x1xf32> to vector<1024x128xf32>
    %eq3A_380 = arith.cmpf oeq, %slice3A_378, %eq3A_379 : vector<1024x128xf32>
    %add3A_381 = arith.constant 3.840000e+03 : f32
    %add3A_382 = vector.broadcast %add3A_381 : f32 to vector<1x128xf32>
    %add3A_383 = arith.addf %get3A_23, %add3A_382 : vector<1x128xf32>
    %jit3A_384 = arith.constant 8.192000e+03 : f32
    %broadcast_in_dim3A_385 = vector.shape_cast %add3A_383 : vector<1x128xf32> to vector<1x128xf32>
    %broadcast_in_dim3A_386 = vector.broadcast %broadcast_in_dim3A_385 : vector<1x128xf32> to vector<1024x128xf32>
    %broadcast_in_dim3A_387 = vector.broadcast %jit3A_384 : f32 to vector<1024x128xf32>
    %select_n3A_388 = arith.select %eq3A_380, %broadcast_in_dim3A_386, %broadcast_in_dim3A_387 : vector<1024x128xi1>, vector<1024x128xf32>
    %min3A_389 = arith.minimumf %min3A_377, %select_n3A_388 : vector<1024x128xf32>
    %slice3A_390 = vector.extract_strided_slice %add3A_18 {offsets = [0, 3968], sizes = [1024, 128], strides = [1, 1]} : vector<1024x8192xf32> to vector<1024x128xf32>
    %eq3A_391 = vector.broadcast %broadcast_in_dim3A_20 : vector<1024x1xf32> to vector<1024x128xf32>
    %eq3A_392 = arith.cmpf oeq, %slice3A_390, %eq3A_391 : vector<1024x128xf32>
    %add3A_393 = arith.constant 3.968000e+03 : f32
    %add3A_394 = vector.broadcast %add3A_393 : f32 to vector<1x128xf32>
    %add3A_395 = arith.addf %get3A_23, %add3A_394 : vector<1x128xf32>
    %jit3A_396 = arith.constant 8.192000e+03 : f32
    %broadcast_in_dim3A_397 = vector.shape_cast %add3A_395 : vector<1x128xf32> to vector<1x128xf32>
    %broadcast_in_dim3A_398 = vector.broadcast %broadcast_in_dim3A_397 : vector<1x128xf32> to vector<1024x128xf32>
    %broadcast_in_dim3A_399 = vector.broadcast %jit3A_396 : f32 to vector<1024x128xf32>
    %select_n3A_400 = arith.select %eq3A_392, %broadcast_in_dim3A_398, %broadcast_in_dim3A_399 : vector<1024x128xi1>, vector<1024x128xf32>
    %min3A_401 = arith.minimumf %min3A_389, %select_n3A_400 : vector<1024x128xf32>
    %slice3A_402 = vector.extract_strided_slice %add3A_18 {offsets = [0, 4096], sizes = [1024, 128], strides = [1, 1]} : vector<1024x8192xf32> to vector<1024x128xf32>
    %eq3A_403 = vector.broadcast %broadcast_in_dim3A_20 : vector<1024x1xf32> to vector<1024x128xf32>
    %eq3A_404 = arith.cmpf oeq, %slice3A_402, %eq3A_403 : vector<1024x128xf32>
    %add3A_405 = arith.constant 4.096000e+03 : f32
    %add3A_406 = vector.broadcast %add3A_405 : f32 to vector<1x128xf32>
    %add3A_407 = arith.addf %get3A_23, %add3A_406 : vector<1x128xf32>
    %jit3A_408 = arith.constant 8.192000e+03 : f32
    %broadcast_in_dim3A_409 = vector.shape_cast %add3A_407 : vector<1x128xf32> to vector<1x128xf32>
    %broadcast_in_dim3A_410 = vector.broadcast %broadcast_in_dim3A_409 : vector<1x128xf32> to vector<1024x128xf32>
    %broadcast_in_dim3A_411 = vector.broadcast %jit3A_408 : f32 to vector<1024x128xf32>
    %select_n3A_412 = arith.select %eq3A_404, %broadcast_in_dim3A_410, %broadcast_in_dim3A_411 : vector<1024x128xi1>, vector<1024x128xf32>
    %min3A_413 = arith.minimumf %min3A_401, %select_n3A_412 : vector<1024x128xf32>
    %slice3A_414 = vector.extract_strided_slice %add3A_18 {offsets = [0, 4224], sizes = [1024, 128], strides = [1, 1]} : vector<1024x8192xf32> to vector<1024x128xf32>
    %eq3A_415 = vector.broadcast %broadcast_in_dim3A_20 : vector<1024x1xf32> to vector<1024x128xf32>
    %eq3A_416 = arith.cmpf oeq, %slice3A_414, %eq3A_415 : vector<1024x128xf32>
    %add3A_417 = arith.constant 4.224000e+03 : f32
    %add3A_418 = vector.broadcast %add3A_417 : f32 to vector<1x128xf32>
    %add3A_419 = arith.addf %get3A_23, %add3A_418 : vector<1x128xf32>
    %jit3A_420 = arith.constant 8.192000e+03 : f32
    %broadcast_in_dim3A_421 = vector.shape_cast %add3A_419 : vector<1x128xf32> to vector<1x128xf32>
    %broadcast_in_dim3A_422 = vector.broadcast %broadcast_in_dim3A_421 : vector<1x128xf32> to vector<1024x128xf32>
    %broadcast_in_dim3A_423 = vector.broadcast %jit3A_420 : f32 to vector<1024x128xf32>
    %select_n3A_424 = arith.select %eq3A_416, %broadcast_in_dim3A_422, %broadcast_in_dim3A_423 : vector<1024x128xi1>, vector<1024x128xf32>
    %min3A_425 = arith.minimumf %min3A_413, %select_n3A_424 : vector<1024x128xf32>
    %slice3A_426 = vector.extract_strided_slice %add3A_18 {offsets = [0, 4352], sizes = [1024, 128], strides = [1, 1]} : vector<1024x8192xf32> to vector<1024x128xf32>
    %eq3A_427 = vector.broadcast %broadcast_in_dim3A_20 : vector<1024x1xf32> to vector<1024x128xf32>
    %eq3A_428 = arith.cmpf oeq, %slice3A_426, %eq3A_427 : vector<1024x128xf32>
    %add3A_429 = arith.constant 4.352000e+03 : f32
    %add3A_430 = vector.broadcast %add3A_429 : f32 to vector<1x128xf32>
    %add3A_431 = arith.addf %get3A_23, %add3A_430 : vector<1x128xf32>
    %jit3A_432 = arith.constant 8.192000e+03 : f32
    %broadcast_in_dim3A_433 = vector.shape_cast %add3A_431 : vector<1x128xf32> to vector<1x128xf32>
    %broadcast_in_dim3A_434 = vector.broadcast %broadcast_in_dim3A_433 : vector<1x128xf32> to vector<1024x128xf32>
    %broadcast_in_dim3A_435 = vector.broadcast %jit3A_432 : f32 to vector<1024x128xf32>
    %select_n3A_436 = arith.select %eq3A_428, %broadcast_in_dim3A_434, %broadcast_in_dim3A_435 : vector<1024x128xi1>, vector<1024x128xf32>
    %min3A_437 = arith.minimumf %min3A_425, %select_n3A_436 : vector<1024x128xf32>
    %slice3A_438 = vector.extract_strided_slice %add3A_18 {offsets = [0, 4480], sizes = [1024, 128], strides = [1, 1]} : vector<1024x8192xf32> to vector<1024x128xf32>
    %eq3A_439 = vector.broadcast %broadcast_in_dim3A_20 : vector<1024x1xf32> to vector<1024x128xf32>
    %eq3A_440 = arith.cmpf oeq, %slice3A_438, %eq3A_439 : vector<1024x128xf32>
    %add3A_441 = arith.constant 4.480000e+03 : f32
    %add3A_442 = vector.broadcast %add3A_441 : f32 to vector<1x128xf32>
    %add3A_443 = arith.addf %get3A_23, %add3A_442 : vector<1x128xf32>
    %jit3A_444 = arith.constant 8.192000e+03 : f32
    %broadcast_in_dim3A_445 = vector.shape_cast %add3A_443 : vector<1x128xf32> to vector<1x128xf32>
    %broadcast_in_dim3A_446 = vector.broadcast %broadcast_in_dim3A_445 : vector<1x128xf32> to vector<1024x128xf32>
    %broadcast_in_dim3A_447 = vector.broadcast %jit3A_444 : f32 to vector<1024x128xf32>
    %select_n3A_448 = arith.select %eq3A_440, %broadcast_in_dim3A_446, %broadcast_in_dim3A_447 : vector<1024x128xi1>, vector<1024x128xf32>
    %min3A_449 = arith.minimumf %min3A_437, %select_n3A_448 : vector<1024x128xf32>
    %slice3A_450 = vector.extract_strided_slice %add3A_18 {offsets = [0, 4608], sizes = [1024, 128], strides = [1, 1]} : vector<1024x8192xf32> to vector<1024x128xf32>
    %eq3A_451 = vector.broadcast %broadcast_in_dim3A_20 : vector<1024x1xf32> to vector<1024x128xf32>
    %eq3A_452 = arith.cmpf oeq, %slice3A_450, %eq3A_451 : vector<1024x128xf32>
    %add3A_453 = arith.constant 4.608000e+03 : f32
    %add3A_454 = vector.broadcast %add3A_453 : f32 to vector<1x128xf32>
    %add3A_455 = arith.addf %get3A_23, %add3A_454 : vector<1x128xf32>
    %jit3A_456 = arith.constant 8.192000e+03 : f32
    %broadcast_in_dim3A_457 = vector.shape_cast %add3A_455 : vector<1x128xf32> to vector<1x128xf32>
    %broadcast_in_dim3A_458 = vector.broadcast %broadcast_in_dim3A_457 : vector<1x128xf32> to vector<1024x128xf32>
    %broadcast_in_dim3A_459 = vector.broadcast %jit3A_456 : f32 to vector<1024x128xf32>
    %select_n3A_460 = arith.select %eq3A_452, %broadcast_in_dim3A_458, %broadcast_in_dim3A_459 : vector<1024x128xi1>, vector<1024x128xf32>
    %min3A_461 = arith.minimumf %min3A_449, %select_n3A_460 : vector<1024x128xf32>
    %slice3A_462 = vector.extract_strided_slice %add3A_18 {offsets = [0, 4736], sizes = [1024, 128], strides = [1, 1]} : vector<1024x8192xf32> to vector<1024x128xf32>
    %eq3A_463 = vector.broadcast %broadcast_in_dim3A_20 : vector<1024x1xf32> to vector<1024x128xf32>
    %eq3A_464 = arith.cmpf oeq, %slice3A_462, %eq3A_463 : vector<1024x128xf32>
    %add3A_465 = arith.constant 4.736000e+03 : f32
    %add3A_466 = vector.broadcast %add3A_465 : f32 to vector<1x128xf32>
    %add3A_467 = arith.addf %get3A_23, %add3A_466 : vector<1x128xf32>
    %jit3A_468 = arith.constant 8.192000e+03 : f32
    %broadcast_in_dim3A_469 = vector.shape_cast %add3A_467 : vector<1x128xf32> to vector<1x128xf32>
    %broadcast_in_dim3A_470 = vector.broadcast %broadcast_in_dim3A_469 : vector<1x128xf32> to vector<1024x128xf32>
    %broadcast_in_dim3A_471 = vector.broadcast %jit3A_468 : f32 to vector<1024x128xf32>
    %select_n3A_472 = arith.select %eq3A_464, %broadcast_in_dim3A_470, %broadcast_in_dim3A_471 : vector<1024x128xi1>, vector<1024x128xf32>
    %min3A_473 = arith.minimumf %min3A_461, %select_n3A_472 : vector<1024x128xf32>
    %slice3A_474 = vector.extract_strided_slice %add3A_18 {offsets = [0, 4864], sizes = [1024, 128], strides = [1, 1]} : vector<1024x8192xf32> to vector<1024x128xf32>
    %eq3A_475 = vector.broadcast %broadcast_in_dim3A_20 : vector<1024x1xf32> to vector<1024x128xf32>
    %eq3A_476 = arith.cmpf oeq, %slice3A_474, %eq3A_475 : vector<1024x128xf32>
    %add3A_477 = arith.constant 4.864000e+03 : f32
    %add3A_478 = vector.broadcast %add3A_477 : f32 to vector<1x128xf32>
    %add3A_479 = arith.addf %get3A_23, %add3A_478 : vector<1x128xf32>
    %jit3A_480 = arith.constant 8.192000e+03 : f32
    %broadcast_in_dim3A_481 = vector.shape_cast %add3A_479 : vector<1x128xf32> to vector<1x128xf32>
    %broadcast_in_dim3A_482 = vector.broadcast %broadcast_in_dim3A_481 : vector<1x128xf32> to vector<1024x128xf32>
    %broadcast_in_dim3A_483 = vector.broadcast %jit3A_480 : f32 to vector<1024x128xf32>
    %select_n3A_484 = arith.select %eq3A_476, %broadcast_in_dim3A_482, %broadcast_in_dim3A_483 : vector<1024x128xi1>, vector<1024x128xf32>
    %min3A_485 = arith.minimumf %min3A_473, %select_n3A_484 : vector<1024x128xf32>
    %slice3A_486 = vector.extract_strided_slice %add3A_18 {offsets = [0, 4992], sizes = [1024, 128], strides = [1, 1]} : vector<1024x8192xf32> to vector<1024x128xf32>
    %eq3A_487 = vector.broadcast %broadcast_in_dim3A_20 : vector<1024x1xf32> to vector<1024x128xf32>
    %eq3A_488 = arith.cmpf oeq, %slice3A_486, %eq3A_487 : vector<1024x128xf32>
    %add3A_489 = arith.constant 4.992000e+03 : f32
    %add3A_490 = vector.broadcast %add3A_489 : f32 to vector<1x128xf32>
    %add3A_491 = arith.addf %get3A_23, %add3A_490 : vector<1x128xf32>
    %jit3A_492 = arith.constant 8.192000e+03 : f32
    %broadcast_in_dim3A_493 = vector.shape_cast %add3A_491 : vector<1x128xf32> to vector<1x128xf32>
    %broadcast_in_dim3A_494 = vector.broadcast %broadcast_in_dim3A_493 : vector<1x128xf32> to vector<1024x128xf32>
    %broadcast_in_dim3A_495 = vector.broadcast %jit3A_492 : f32 to vector<1024x128xf32>
    %select_n3A_496 = arith.select %eq3A_488, %broadcast_in_dim3A_494, %broadcast_in_dim3A_495 : vector<1024x128xi1>, vector<1024x128xf32>
    %min3A_497 = arith.minimumf %min3A_485, %select_n3A_496 : vector<1024x128xf32>
    %slice3A_498 = vector.extract_strided_slice %add3A_18 {offsets = [0, 5120], sizes = [1024, 128], strides = [1, 1]} : vector<1024x8192xf32> to vector<1024x128xf32>
    %eq3A_499 = vector.broadcast %broadcast_in_dim3A_20 : vector<1024x1xf32> to vector<1024x128xf32>
    %eq3A_500 = arith.cmpf oeq, %slice3A_498, %eq3A_499 : vector<1024x128xf32>
    %add3A_501 = arith.constant 5.120000e+03 : f32
    %add3A_502 = vector.broadcast %add3A_501 : f32 to vector<1x128xf32>
    %add3A_503 = arith.addf %get3A_23, %add3A_502 : vector<1x128xf32>
    %jit3A_504 = arith.constant 8.192000e+03 : f32
    %broadcast_in_dim3A_505 = vector.shape_cast %add3A_503 : vector<1x128xf32> to vector<1x128xf32>
    %broadcast_in_dim3A_506 = vector.broadcast %broadcast_in_dim3A_505 : vector<1x128xf32> to vector<1024x128xf32>
    %broadcast_in_dim3A_507 = vector.broadcast %jit3A_504 : f32 to vector<1024x128xf32>
    %select_n3A_508 = arith.select %eq3A_500, %broadcast_in_dim3A_506, %broadcast_in_dim3A_507 : vector<1024x128xi1>, vector<1024x128xf32>
    %min3A_509 = arith.minimumf %min3A_497, %select_n3A_508 : vector<1024x128xf32>
    %slice3A_510 = vector.extract_strided_slice %add3A_18 {offsets = [0, 5248], sizes = [1024, 128], strides = [1, 1]} : vector<1024x8192xf32> to vector<1024x128xf32>
    %eq3A_511 = vector.broadcast %broadcast_in_dim3A_20 : vector<1024x1xf32> to vector<1024x128xf32>
    %eq3A_512 = arith.cmpf oeq, %slice3A_510, %eq3A_511 : vector<1024x128xf32>
    %add3A_513 = arith.constant 5.248000e+03 : f32
    %add3A_514 = vector.broadcast %add3A_513 : f32 to vector<1x128xf32>
    %add3A_515 = arith.addf %get3A_23, %add3A_514 : vector<1x128xf32>
    %jit3A_516 = arith.constant 8.192000e+03 : f32
    %broadcast_in_dim3A_517 = vector.shape_cast %add3A_515 : vector<1x128xf32> to vector<1x128xf32>
    %broadcast_in_dim3A_518 = vector.broadcast %broadcast_in_dim3A_517 : vector<1x128xf32> to vector<1024x128xf32>
    %broadcast_in_dim3A_519 = vector.broadcast %jit3A_516 : f32 to vector<1024x128xf32>
    %select_n3A_520 = arith.select %eq3A_512, %broadcast_in_dim3A_518, %broadcast_in_dim3A_519 : vector<1024x128xi1>, vector<1024x128xf32>
    %min3A_521 = arith.minimumf %min3A_509, %select_n3A_520 : vector<1024x128xf32>
    %slice3A_522 = vector.extract_strided_slice %add3A_18 {offsets = [0, 5376], sizes = [1024, 128], strides = [1, 1]} : vector<1024x8192xf32> to vector<1024x128xf32>
    %eq3A_523 = vector.broadcast %broadcast_in_dim3A_20 : vector<1024x1xf32> to vector<1024x128xf32>
    %eq3A_524 = arith.cmpf oeq, %slice3A_522, %eq3A_523 : vector<1024x128xf32>
    %add3A_525 = arith.constant 5.376000e+03 : f32
    %add3A_526 = vector.broadcast %add3A_525 : f32 to vector<1x128xf32>
    %add3A_527 = arith.addf %get3A_23, %add3A_526 : vector<1x128xf32>
    %jit3A_528 = arith.constant 8.192000e+03 : f32
    %broadcast_in_dim3A_529 = vector.shape_cast %add3A_527 : vector<1x128xf32> to vector<1x128xf32>
    %broadcast_in_dim3A_530 = vector.broadcast %broadcast_in_dim3A_529 : vector<1x128xf32> to vector<1024x128xf32>
    %broadcast_in_dim3A_531 = vector.broadcast %jit3A_528 : f32 to vector<1024x128xf32>
    %select_n3A_532 = arith.select %eq3A_524, %broadcast_in_dim3A_530, %broadcast_in_dim3A_531 : vector<1024x128xi1>, vector<1024x128xf32>
    %min3A_533 = arith.minimumf %min3A_521, %select_n3A_532 : vector<1024x128xf32>
    %slice3A_534 = vector.extract_strided_slice %add3A_18 {offsets = [0, 5504], sizes = [1024, 128], strides = [1, 1]} : vector<1024x8192xf32> to vector<1024x128xf32>
    %eq3A_535 = vector.broadcast %broadcast_in_dim3A_20 : vector<1024x1xf32> to vector<1024x128xf32>
    %eq3A_536 = arith.cmpf oeq, %slice3A_534, %eq3A_535 : vector<1024x128xf32>
    %add3A_537 = arith.constant 5.504000e+03 : f32
    %add3A_538 = vector.broadcast %add3A_537 : f32 to vector<1x128xf32>
    %add3A_539 = arith.addf %get3A_23, %add3A_538 : vector<1x128xf32>
    %jit3A_540 = arith.constant 8.192000e+03 : f32
    %broadcast_in_dim3A_541 = vector.shape_cast %add3A_539 : vector<1x128xf32> to vector<1x128xf32>
    %broadcast_in_dim3A_542 = vector.broadcast %broadcast_in_dim3A_541 : vector<1x128xf32> to vector<1024x128xf32>
    %broadcast_in_dim3A_543 = vector.broadcast %jit3A_540 : f32 to vector<1024x128xf32>
    %select_n3A_544 = arith.select %eq3A_536, %broadcast_in_dim3A_542, %broadcast_in_dim3A_543 : vector<1024x128xi1>, vector<1024x128xf32>
    %min3A_545 = arith.minimumf %min3A_533, %select_n3A_544 : vector<1024x128xf32>
    %slice3A_546 = vector.extract_strided_slice %add3A_18 {offsets = [0, 5632], sizes = [1024, 128], strides = [1, 1]} : vector<1024x8192xf32> to vector<1024x128xf32>
    %eq3A_547 = vector.broadcast %broadcast_in_dim3A_20 : vector<1024x1xf32> to vector<1024x128xf32>
    %eq3A_548 = arith.cmpf oeq, %slice3A_546, %eq3A_547 : vector<1024x128xf32>
    %add3A_549 = arith.constant 5.632000e+03 : f32
    %add3A_550 = vector.broadcast %add3A_549 : f32 to vector<1x128xf32>
    %add3A_551 = arith.addf %get3A_23, %add3A_550 : vector<1x128xf32>
    %jit3A_552 = arith.constant 8.192000e+03 : f32
    %broadcast_in_dim3A_553 = vector.shape_cast %add3A_551 : vector<1x128xf32> to vector<1x128xf32>
    %broadcast_in_dim3A_554 = vector.broadcast %broadcast_in_dim3A_553 : vector<1x128xf32> to vector<1024x128xf32>
    %broadcast_in_dim3A_555 = vector.broadcast %jit3A_552 : f32 to vector<1024x128xf32>
    %select_n3A_556 = arith.select %eq3A_548, %broadcast_in_dim3A_554, %broadcast_in_dim3A_555 : vector<1024x128xi1>, vector<1024x128xf32>
    %min3A_557 = arith.minimumf %min3A_545, %select_n3A_556 : vector<1024x128xf32>
    %slice3A_558 = vector.extract_strided_slice %add3A_18 {offsets = [0, 5760], sizes = [1024, 128], strides = [1, 1]} : vector<1024x8192xf32> to vector<1024x128xf32>
    %eq3A_559 = vector.broadcast %broadcast_in_dim3A_20 : vector<1024x1xf32> to vector<1024x128xf32>
    %eq3A_560 = arith.cmpf oeq, %slice3A_558, %eq3A_559 : vector<1024x128xf32>
    %add3A_561 = arith.constant 5.760000e+03 : f32
    %add3A_562 = vector.broadcast %add3A_561 : f32 to vector<1x128xf32>
    %add3A_563 = arith.addf %get3A_23, %add3A_562 : vector<1x128xf32>
    %jit3A_564 = arith.constant 8.192000e+03 : f32
    %broadcast_in_dim3A_565 = vector.shape_cast %add3A_563 : vector<1x128xf32> to vector<1x128xf32>
    %broadcast_in_dim3A_566 = vector.broadcast %broadcast_in_dim3A_565 : vector<1x128xf32> to vector<1024x128xf32>
    %broadcast_in_dim3A_567 = vector.broadcast %jit3A_564 : f32 to vector<1024x128xf32>
    %select_n3A_568 = arith.select %eq3A_560, %broadcast_in_dim3A_566, %broadcast_in_dim3A_567 : vector<1024x128xi1>, vector<1024x128xf32>
    %min3A_569 = arith.minimumf %min3A_557, %select_n3A_568 : vector<1024x128xf32>
    %slice3A_570 = vector.extract_strided_slice %add3A_18 {offsets = [0, 5888], sizes = [1024, 128], strides = [1, 1]} : vector<1024x8192xf32> to vector<1024x128xf32>
    %eq3A_571 = vector.broadcast %broadcast_in_dim3A_20 : vector<1024x1xf32> to vector<1024x128xf32>
    %eq3A_572 = arith.cmpf oeq, %slice3A_570, %eq3A_571 : vector<1024x128xf32>
    %add3A_573 = arith.constant 5.888000e+03 : f32
    %add3A_574 = vector.broadcast %add3A_573 : f32 to vector<1x128xf32>
    %add3A_575 = arith.addf %get3A_23, %add3A_574 : vector<1x128xf32>
    %jit3A_576 = arith.constant 8.192000e+03 : f32
    %broadcast_in_dim3A_577 = vector.shape_cast %add3A_575 : vector<1x128xf32> to vector<1x128xf32>
    %broadcast_in_dim3A_578 = vector.broadcast %broadcast_in_dim3A_577 : vector<1x128xf32> to vector<1024x128xf32>
    %broadcast_in_dim3A_579 = vector.broadcast %jit3A_576 : f32 to vector<1024x128xf32>
    %select_n3A_580 = arith.select %eq3A_572, %broadcast_in_dim3A_578, %broadcast_in_dim3A_579 : vector<1024x128xi1>, vector<1024x128xf32>
    %min3A_581 = arith.minimumf %min3A_569, %select_n3A_580 : vector<1024x128xf32>
    %slice3A_582 = vector.extract_strided_slice %add3A_18 {offsets = [0, 6016], sizes = [1024, 128], strides = [1, 1]} : vector<1024x8192xf32> to vector<1024x128xf32>
    %eq3A_583 = vector.broadcast %broadcast_in_dim3A_20 : vector<1024x1xf32> to vector<1024x128xf32>
    %eq3A_584 = arith.cmpf oeq, %slice3A_582, %eq3A_583 : vector<1024x128xf32>
    %add3A_585 = arith.constant 6.016000e+03 : f32
    %add3A_586 = vector.broadcast %add3A_585 : f32 to vector<1x128xf32>
    %add3A_587 = arith.addf %get3A_23, %add3A_586 : vector<1x128xf32>
    %jit3A_588 = arith.constant 8.192000e+03 : f32
    %broadcast_in_dim3A_589 = vector.shape_cast %add3A_587 : vector<1x128xf32> to vector<1x128xf32>
    %broadcast_in_dim3A_590 = vector.broadcast %broadcast_in_dim3A_589 : vector<1x128xf32> to vector<1024x128xf32>
    %broadcast_in_dim3A_591 = vector.broadcast %jit3A_588 : f32 to vector<1024x128xf32>
    %select_n3A_592 = arith.select %eq3A_584, %broadcast_in_dim3A_590, %broadcast_in_dim3A_591 : vector<1024x128xi1>, vector<1024x128xf32>
    %min3A_593 = arith.minimumf %min3A_581, %select_n3A_592 : vector<1024x128xf32>
    %slice3A_594 = vector.extract_strided_slice %add3A_18 {offsets = [0, 6144], sizes = [1024, 128], strides = [1, 1]} : vector<1024x8192xf32> to vector<1024x128xf32>
    %eq3A_595 = vector.broadcast %broadcast_in_dim3A_20 : vector<1024x1xf32> to vector<1024x128xf32>
    %eq3A_596 = arith.cmpf oeq, %slice3A_594, %eq3A_595 : vector<1024x128xf32>
    %add3A_597 = arith.constant 6.144000e+03 : f32
    %add3A_598 = vector.broadcast %add3A_597 : f32 to vector<1x128xf32>
    %add3A_599 = arith.addf %get3A_23, %add3A_598 : vector<1x128xf32>
    %jit3A_600 = arith.constant 8.192000e+03 : f32
    %broadcast_in_dim3A_601 = vector.shape_cast %add3A_599 : vector<1x128xf32> to vector<1x128xf32>
    %broadcast_in_dim3A_602 = vector.broadcast %broadcast_in_dim3A_601 : vector<1x128xf32> to vector<1024x128xf32>
    %broadcast_in_dim3A_603 = vector.broadcast %jit3A_600 : f32 to vector<1024x128xf32>
    %select_n3A_604 = arith.select %eq3A_596, %broadcast_in_dim3A_602, %broadcast_in_dim3A_603 : vector<1024x128xi1>, vector<1024x128xf32>
    %min3A_605 = arith.minimumf %min3A_593, %select_n3A_604 : vector<1024x128xf32>
    %slice3A_606 = vector.extract_strided_slice %add3A_18 {offsets = [0, 6272], sizes = [1024, 128], strides = [1, 1]} : vector<1024x8192xf32> to vector<1024x128xf32>
    %eq3A_607 = vector.broadcast %broadcast_in_dim3A_20 : vector<1024x1xf32> to vector<1024x128xf32>
    %eq3A_608 = arith.cmpf oeq, %slice3A_606, %eq3A_607 : vector<1024x128xf32>
    %add3A_609 = arith.constant 6.272000e+03 : f32
    %add3A_610 = vector.broadcast %add3A_609 : f32 to vector<1x128xf32>
    %add3A_611 = arith.addf %get3A_23, %add3A_610 : vector<1x128xf32>
    %jit3A_612 = arith.constant 8.192000e+03 : f32
    %broadcast_in_dim3A_613 = vector.shape_cast %add3A_611 : vector<1x128xf32> to vector<1x128xf32>
    %broadcast_in_dim3A_614 = vector.broadcast %broadcast_in_dim3A_613 : vector<1x128xf32> to vector<1024x128xf32>
    %broadcast_in_dim3A_615 = vector.broadcast %jit3A_612 : f32 to vector<1024x128xf32>
    %select_n3A_616 = arith.select %eq3A_608, %broadcast_in_dim3A_614, %broadcast_in_dim3A_615 : vector<1024x128xi1>, vector<1024x128xf32>
    %min3A_617 = arith.minimumf %min3A_605, %select_n3A_616 : vector<1024x128xf32>
    %slice3A_618 = vector.extract_strided_slice %add3A_18 {offsets = [0, 6400], sizes = [1024, 128], strides = [1, 1]} : vector<1024x8192xf32> to vector<1024x128xf32>
    %eq3A_619 = vector.broadcast %broadcast_in_dim3A_20 : vector<1024x1xf32> to vector<1024x128xf32>
    %eq3A_620 = arith.cmpf oeq, %slice3A_618, %eq3A_619 : vector<1024x128xf32>
    %add3A_621 = arith.constant 6.400000e+03 : f32
    %add3A_622 = vector.broadcast %add3A_621 : f32 to vector<1x128xf32>
    %add3A_623 = arith.addf %get3A_23, %add3A_622 : vector<1x128xf32>
    %jit3A_624 = arith.constant 8.192000e+03 : f32
    %broadcast_in_dim3A_625 = vector.shape_cast %add3A_623 : vector<1x128xf32> to vector<1x128xf32>
    %broadcast_in_dim3A_626 = vector.broadcast %broadcast_in_dim3A_625 : vector<1x128xf32> to vector<1024x128xf32>
    %broadcast_in_dim3A_627 = vector.broadcast %jit3A_624 : f32 to vector<1024x128xf32>
    %select_n3A_628 = arith.select %eq3A_620, %broadcast_in_dim3A_626, %broadcast_in_dim3A_627 : vector<1024x128xi1>, vector<1024x128xf32>
    %min3A_629 = arith.minimumf %min3A_617, %select_n3A_628 : vector<1024x128xf32>
    %slice3A_630 = vector.extract_strided_slice %add3A_18 {offsets = [0, 6528], sizes = [1024, 128], strides = [1, 1]} : vector<1024x8192xf32> to vector<1024x128xf32>
    %eq3A_631 = vector.broadcast %broadcast_in_dim3A_20 : vector<1024x1xf32> to vector<1024x128xf32>
    %eq3A_632 = arith.cmpf oeq, %slice3A_630, %eq3A_631 : vector<1024x128xf32>
    %add3A_633 = arith.constant 6.528000e+03 : f32
    %add3A_634 = vector.broadcast %add3A_633 : f32 to vector<1x128xf32>
    %add3A_635 = arith.addf %get3A_23, %add3A_634 : vector<1x128xf32>
    %jit3A_636 = arith.constant 8.192000e+03 : f32
    %broadcast_in_dim3A_637 = vector.shape_cast %add3A_635 : vector<1x128xf32> to vector<1x128xf32>
    %broadcast_in_dim3A_638 = vector.broadcast %broadcast_in_dim3A_637 : vector<1x128xf32> to vector<1024x128xf32>
    %broadcast_in_dim3A_639 = vector.broadcast %jit3A_636 : f32 to vector<1024x128xf32>
    %select_n3A_640 = arith.select %eq3A_632, %broadcast_in_dim3A_638, %broadcast_in_dim3A_639 : vector<1024x128xi1>, vector<1024x128xf32>
    %min3A_641 = arith.minimumf %min3A_629, %select_n3A_640 : vector<1024x128xf32>
    %slice3A_642 = vector.extract_strided_slice %add3A_18 {offsets = [0, 6656], sizes = [1024, 128], strides = [1, 1]} : vector<1024x8192xf32> to vector<1024x128xf32>
    %eq3A_643 = vector.broadcast %broadcast_in_dim3A_20 : vector<1024x1xf32> to vector<1024x128xf32>
    %eq3A_644 = arith.cmpf oeq, %slice3A_642, %eq3A_643 : vector<1024x128xf32>
    %add3A_645 = arith.constant 6.656000e+03 : f32
    %add3A_646 = vector.broadcast %add3A_645 : f32 to vector<1x128xf32>
    %add3A_647 = arith.addf %get3A_23, %add3A_646 : vector<1x128xf32>
    %jit3A_648 = arith.constant 8.192000e+03 : f32
    %broadcast_in_dim3A_649 = vector.shape_cast %add3A_647 : vector<1x128xf32> to vector<1x128xf32>
    %broadcast_in_dim3A_650 = vector.broadcast %broadcast_in_dim3A_649 : vector<1x128xf32> to vector<1024x128xf32>
    %broadcast_in_dim3A_651 = vector.broadcast %jit3A_648 : f32 to vector<1024x128xf32>
    %select_n3A_652 = arith.select %eq3A_644, %broadcast_in_dim3A_650, %broadcast_in_dim3A_651 : vector<1024x128xi1>, vector<1024x128xf32>
    %min3A_653 = arith.minimumf %min3A_641, %select_n3A_652 : vector<1024x128xf32>
    %slice3A_654 = vector.extract_strided_slice %add3A_18 {offsets = [0, 6784], sizes = [1024, 128], strides = [1, 1]} : vector<1024x8192xf32> to vector<1024x128xf32>
    %eq3A_655 = vector.broadcast %broadcast_in_dim3A_20 : vector<1024x1xf32> to vector<1024x128xf32>
    %eq3A_656 = arith.cmpf oeq, %slice3A_654, %eq3A_655 : vector<1024x128xf32>
    %add3A_657 = arith.constant 6.784000e+03 : f32
    %add3A_658 = vector.broadcast %add3A_657 : f32 to vector<1x128xf32>
    %add3A_659 = arith.addf %get3A_23, %add3A_658 : vector<1x128xf32>
    %jit3A_660 = arith.constant 8.192000e+03 : f32
    %broadcast_in_dim3A_661 = vector.shape_cast %add3A_659 : vector<1x128xf32> to vector<1x128xf32>
    %broadcast_in_dim3A_662 = vector.broadcast %broadcast_in_dim3A_661 : vector<1x128xf32> to vector<1024x128xf32>
    %broadcast_in_dim3A_663 = vector.broadcast %jit3A_660 : f32 to vector<1024x128xf32>
    %select_n3A_664 = arith.select %eq3A_656, %broadcast_in_dim3A_662, %broadcast_in_dim3A_663 : vector<1024x128xi1>, vector<1024x128xf32>
    %min3A_665 = arith.minimumf %min3A_653, %select_n3A_664 : vector<1024x128xf32>
    %slice3A_666 = vector.extract_strided_slice %add3A_18 {offsets = [0, 6912], sizes = [1024, 128], strides = [1, 1]} : vector<1024x8192xf32> to vector<1024x128xf32>
    %eq3A_667 = vector.broadcast %broadcast_in_dim3A_20 : vector<1024x1xf32> to vector<1024x128xf32>
    %eq3A_668 = arith.cmpf oeq, %slice3A_666, %eq3A_667 : vector<1024x128xf32>
    %add3A_669 = arith.constant 6.912000e+03 : f32
    %add3A_670 = vector.broadcast %add3A_669 : f32 to vector<1x128xf32>
    %add3A_671 = arith.addf %get3A_23, %add3A_670 : vector<1x128xf32>
    %jit3A_672 = arith.constant 8.192000e+03 : f32
    %broadcast_in_dim3A_673 = vector.shape_cast %add3A_671 : vector<1x128xf32> to vector<1x128xf32>
    %broadcast_in_dim3A_674 = vector.broadcast %broadcast_in_dim3A_673 : vector<1x128xf32> to vector<1024x128xf32>
    %broadcast_in_dim3A_675 = vector.broadcast %jit3A_672 : f32 to vector<1024x128xf32>
    %select_n3A_676 = arith.select %eq3A_668, %broadcast_in_dim3A_674, %broadcast_in_dim3A_675 : vector<1024x128xi1>, vector<1024x128xf32>
    %min3A_677 = arith.minimumf %min3A_665, %select_n3A_676 : vector<1024x128xf32>
    %slice3A_678 = vector.extract_strided_slice %add3A_18 {offsets = [0, 7040], sizes = [1024, 128], strides = [1, 1]} : vector<1024x8192xf32> to vector<1024x128xf32>
    %eq3A_679 = vector.broadcast %broadcast_in_dim3A_20 : vector<1024x1xf32> to vector<1024x128xf32>
    %eq3A_680 = arith.cmpf oeq, %slice3A_678, %eq3A_679 : vector<1024x128xf32>
    %add3A_681 = arith.constant 7.040000e+03 : f32
    %add3A_682 = vector.broadcast %add3A_681 : f32 to vector<1x128xf32>
    %add3A_683 = arith.addf %get3A_23, %add3A_682 : vector<1x128xf32>
    %jit3A_684 = arith.constant 8.192000e+03 : f32
    %broadcast_in_dim3A_685 = vector.shape_cast %add3A_683 : vector<1x128xf32> to vector<1x128xf32>
    %broadcast_in_dim3A_686 = vector.broadcast %broadcast_in_dim3A_685 : vector<1x128xf32> to vector<1024x128xf32>
    %broadcast_in_dim3A_687 = vector.broadcast %jit3A_684 : f32 to vector<1024x128xf32>
    %select_n3A_688 = arith.select %eq3A_680, %broadcast_in_dim3A_686, %broadcast_in_dim3A_687 : vector<1024x128xi1>, vector<1024x128xf32>
    %min3A_689 = arith.minimumf %min3A_677, %select_n3A_688 : vector<1024x128xf32>
    %slice3A_690 = vector.extract_strided_slice %add3A_18 {offsets = [0, 7168], sizes = [1024, 128], strides = [1, 1]} : vector<1024x8192xf32> to vector<1024x128xf32>
    %eq3A_691 = vector.broadcast %broadcast_in_dim3A_20 : vector<1024x1xf32> to vector<1024x128xf32>
    %eq3A_692 = arith.cmpf oeq, %slice3A_690, %eq3A_691 : vector<1024x128xf32>
    %add3A_693 = arith.constant 7.168000e+03 : f32
    %add3A_694 = vector.broadcast %add3A_693 : f32 to vector<1x128xf32>
    %add3A_695 = arith.addf %get3A_23, %add3A_694 : vector<1x128xf32>
    %jit3A_696 = arith.constant 8.192000e+03 : f32
    %broadcast_in_dim3A_697 = vector.shape_cast %add3A_695 : vector<1x128xf32> to vector<1x128xf32>
    %broadcast_in_dim3A_698 = vector.broadcast %broadcast_in_dim3A_697 : vector<1x128xf32> to vector<1024x128xf32>
    %broadcast_in_dim3A_699 = vector.broadcast %jit3A_696 : f32 to vector<1024x128xf32>
    %select_n3A_700 = arith.select %eq3A_692, %broadcast_in_dim3A_698, %broadcast_in_dim3A_699 : vector<1024x128xi1>, vector<1024x128xf32>
    %min3A_701 = arith.minimumf %min3A_689, %select_n3A_700 : vector<1024x128xf32>
    %slice3A_702 = vector.extract_strided_slice %add3A_18 {offsets = [0, 7296], sizes = [1024, 128], strides = [1, 1]} : vector<1024x8192xf32> to vector<1024x128xf32>
    %eq3A_703 = vector.broadcast %broadcast_in_dim3A_20 : vector<1024x1xf32> to vector<1024x128xf32>
    %eq3A_704 = arith.cmpf oeq, %slice3A_702, %eq3A_703 : vector<1024x128xf32>
    %add3A_705 = arith.constant 7.296000e+03 : f32
    %add3A_706 = vector.broadcast %add3A_705 : f32 to vector<1x128xf32>
    %add3A_707 = arith.addf %get3A_23, %add3A_706 : vector<1x128xf32>
    %jit3A_708 = arith.constant 8.192000e+03 : f32
    %broadcast_in_dim3A_709 = vector.shape_cast %add3A_707 : vector<1x128xf32> to vector<1x128xf32>
    %broadcast_in_dim3A_710 = vector.broadcast %broadcast_in_dim3A_709 : vector<1x128xf32> to vector<1024x128xf32>
    %broadcast_in_dim3A_711 = vector.broadcast %jit3A_708 : f32 to vector<1024x128xf32>
    %select_n3A_712 = arith.select %eq3A_704, %broadcast_in_dim3A_710, %broadcast_in_dim3A_711 : vector<1024x128xi1>, vector<1024x128xf32>
    %min3A_713 = arith.minimumf %min3A_701, %select_n3A_712 : vector<1024x128xf32>
    %slice3A_714 = vector.extract_strided_slice %add3A_18 {offsets = [0, 7424], sizes = [1024, 128], strides = [1, 1]} : vector<1024x8192xf32> to vector<1024x128xf32>
    %eq3A_715 = vector.broadcast %broadcast_in_dim3A_20 : vector<1024x1xf32> to vector<1024x128xf32>
    %eq3A_716 = arith.cmpf oeq, %slice3A_714, %eq3A_715 : vector<1024x128xf32>
    %add3A_717 = arith.constant 7.424000e+03 : f32
    %add3A_718 = vector.broadcast %add3A_717 : f32 to vector<1x128xf32>
    %add3A_719 = arith.addf %get3A_23, %add3A_718 : vector<1x128xf32>
    %jit3A_720 = arith.constant 8.192000e+03 : f32
    %broadcast_in_dim3A_721 = vector.shape_cast %add3A_719 : vector<1x128xf32> to vector<1x128xf32>
    %broadcast_in_dim3A_722 = vector.broadcast %broadcast_in_dim3A_721 : vector<1x128xf32> to vector<1024x128xf32>
    %broadcast_in_dim3A_723 = vector.broadcast %jit3A_720 : f32 to vector<1024x128xf32>
    %select_n3A_724 = arith.select %eq3A_716, %broadcast_in_dim3A_722, %broadcast_in_dim3A_723 : vector<1024x128xi1>, vector<1024x128xf32>
    %min3A_725 = arith.minimumf %min3A_713, %select_n3A_724 : vector<1024x128xf32>
    %slice3A_726 = vector.extract_strided_slice %add3A_18 {offsets = [0, 7552], sizes = [1024, 128], strides = [1, 1]} : vector<1024x8192xf32> to vector<1024x128xf32>
    %eq3A_727 = vector.broadcast %broadcast_in_dim3A_20 : vector<1024x1xf32> to vector<1024x128xf32>
    %eq3A_728 = arith.cmpf oeq, %slice3A_726, %eq3A_727 : vector<1024x128xf32>
    %add3A_729 = arith.constant 7.552000e+03 : f32
    %add3A_730 = vector.broadcast %add3A_729 : f32 to vector<1x128xf32>
    %add3A_731 = arith.addf %get3A_23, %add3A_730 : vector<1x128xf32>
    %jit3A_732 = arith.constant 8.192000e+03 : f32
    %broadcast_in_dim3A_733 = vector.shape_cast %add3A_731 : vector<1x128xf32> to vector<1x128xf32>
    %broadcast_in_dim3A_734 = vector.broadcast %broadcast_in_dim3A_733 : vector<1x128xf32> to vector<1024x128xf32>
    %broadcast_in_dim3A_735 = vector.broadcast %jit3A_732 : f32 to vector<1024x128xf32>
    %select_n3A_736 = arith.select %eq3A_728, %broadcast_in_dim3A_734, %broadcast_in_dim3A_735 : vector<1024x128xi1>, vector<1024x128xf32>
    %min3A_737 = arith.minimumf %min3A_725, %select_n3A_736 : vector<1024x128xf32>
    %slice3A_738 = vector.extract_strided_slice %add3A_18 {offsets = [0, 7680], sizes = [1024, 128], strides = [1, 1]} : vector<1024x8192xf32> to vector<1024x128xf32>
    %eq3A_739 = vector.broadcast %broadcast_in_dim3A_20 : vector<1024x1xf32> to vector<1024x128xf32>
    %eq3A_740 = arith.cmpf oeq, %slice3A_738, %eq3A_739 : vector<1024x128xf32>
    %add3A_741 = arith.constant 7.680000e+03 : f32
    %add3A_742 = vector.broadcast %add3A_741 : f32 to vector<1x128xf32>
    %add3A_743 = arith.addf %get3A_23, %add3A_742 : vector<1x128xf32>
    %jit3A_744 = arith.constant 8.192000e+03 : f32
    %broadcast_in_dim3A_745 = vector.shape_cast %add3A_743 : vector<1x128xf32> to vector<1x128xf32>
    %broadcast_in_dim3A_746 = vector.broadcast %broadcast_in_dim3A_745 : vector<1x128xf32> to vector<1024x128xf32>
    %broadcast_in_dim3A_747 = vector.broadcast %jit3A_744 : f32 to vector<1024x128xf32>
    %select_n3A_748 = arith.select %eq3A_740, %broadcast_in_dim3A_746, %broadcast_in_dim3A_747 : vector<1024x128xi1>, vector<1024x128xf32>
    %min3A_749 = arith.minimumf %min3A_737, %select_n3A_748 : vector<1024x128xf32>
    %slice3A_750 = vector.extract_strided_slice %add3A_18 {offsets = [0, 7808], sizes = [1024, 128], strides = [1, 1]} : vector<1024x8192xf32> to vector<1024x128xf32>
    %eq3A_751 = vector.broadcast %broadcast_in_dim3A_20 : vector<1024x1xf32> to vector<1024x128xf32>
    %eq3A_752 = arith.cmpf oeq, %slice3A_750, %eq3A_751 : vector<1024x128xf32>
    %add3A_753 = arith.constant 7.808000e+03 : f32
    %add3A_754 = vector.broadcast %add3A_753 : f32 to vector<1x128xf32>
    %add3A_755 = arith.addf %get3A_23, %add3A_754 : vector<1x128xf32>
    %jit3A_756 = arith.constant 8.192000e+03 : f32
    %broadcast_in_dim3A_757 = vector.shape_cast %add3A_755 : vector<1x128xf32> to vector<1x128xf32>
    %broadcast_in_dim3A_758 = vector.broadcast %broadcast_in_dim3A_757 : vector<1x128xf32> to vector<1024x128xf32>
    %broadcast_in_dim3A_759 = vector.broadcast %jit3A_756 : f32 to vector<1024x128xf32>
    %select_n3A_760 = arith.select %eq3A_752, %broadcast_in_dim3A_758, %broadcast_in_dim3A_759 : vector<1024x128xi1>, vector<1024x128xf32>
    %min3A_761 = arith.minimumf %min3A_749, %select_n3A_760 : vector<1024x128xf32>
    %slice3A_762 = vector.extract_strided_slice %add3A_18 {offsets = [0, 7936], sizes = [1024, 128], strides = [1, 1]} : vector<1024x8192xf32> to vector<1024x128xf32>
    %eq3A_763 = vector.broadcast %broadcast_in_dim3A_20 : vector<1024x1xf32> to vector<1024x128xf32>
    %eq3A_764 = arith.cmpf oeq, %slice3A_762, %eq3A_763 : vector<1024x128xf32>
    %add3A_765 = arith.constant 7.936000e+03 : f32
    %add3A_766 = vector.broadcast %add3A_765 : f32 to vector<1x128xf32>
    %add3A_767 = arith.addf %get3A_23, %add3A_766 : vector<1x128xf32>
    %jit3A_768 = arith.constant 8.192000e+03 : f32
    %broadcast_in_dim3A_769 = vector.shape_cast %add3A_767 : vector<1x128xf32> to vector<1x128xf32>
    %broadcast_in_dim3A_770 = vector.broadcast %broadcast_in_dim3A_769 : vector<1x128xf32> to vector<1024x128xf32>
    %broadcast_in_dim3A_771 = vector.broadcast %jit3A_768 : f32 to vector<1024x128xf32>
    %select_n3A_772 = arith.select %eq3A_764, %broadcast_in_dim3A_770, %broadcast_in_dim3A_771 : vector<1024x128xi1>, vector<1024x128xf32>
    %min3A_773 = arith.minimumf %min3A_761, %select_n3A_772 : vector<1024x128xf32>
    %slice3A_774 = vector.extract_strided_slice %add3A_18 {offsets = [0, 8064], sizes = [1024, 128], strides = [1, 1]} : vector<1024x8192xf32> to vector<1024x128xf32>
    %eq3A_775 = vector.broadcast %broadcast_in_dim3A_20 : vector<1024x1xf32> to vector<1024x128xf32>
    %eq3A_776 = arith.cmpf oeq, %slice3A_774, %eq3A_775 : vector<1024x128xf32>
    %add3A_777 = arith.constant 8.064000e+03 : f32
    %add3A_778 = vector.broadcast %add3A_777 : f32 to vector<1x128xf32>
    %add3A_779 = arith.addf %get3A_23, %add3A_778 : vector<1x128xf32>
    %jit3A_780 = arith.constant 8.192000e+03 : f32
    %broadcast_in_dim3A_781 = vector.shape_cast %add3A_779 : vector<1x128xf32> to vector<1x128xf32>
    %broadcast_in_dim3A_782 = vector.broadcast %broadcast_in_dim3A_781 : vector<1x128xf32> to vector<1024x128xf32>
    %broadcast_in_dim3A_783 = vector.broadcast %jit3A_780 : f32 to vector<1024x128xf32>
    %select_n3A_784 = arith.select %eq3A_776, %broadcast_in_dim3A_782, %broadcast_in_dim3A_783 : vector<1024x128xi1>, vector<1024x128xf32>
    %min3A_785 = arith.minimumf %min3A_773, %select_n3A_784 : vector<1024x128xf32>
    %reduce_min3A_786 = arith.constant dense<0x7F800000> : vector<1024xf32>
    %reduce_min3A_787 = vector.multi_reduction <minimumf>, %min3A_785, %reduce_min3A_786 [1] : vector<1024x128xf32> to vector<1024xf32>
    %convert_element_type3A = arith.fptosi %reduce_min3A_787 : vector<1024xf32> to vector<1024xi32>
    %swap3A = arith.constant 0 : index
    %swap3A_788 = arith.constant 0 : index
    %swap3A_789 = arith.constant 0 : index
    %swap3A_790 = vector.load %arg4[%swap3A, %swap3A_788, %swap3A_789] : memref<1x1x1024xi32, #tpu.memory_space<vmem>>, vector<1x1x1024xi32>
    %swap3A_791 = vector.shape_cast %swap3A_790 : vector<1x1x1024xi32> to vector<1024xi32>
    %swap3A_792 = vector.shape_cast %convert_element_type3A : vector<1024xi32> to vector<1x1x1024xi32>
    tpu.vector_store %arg4[%swap3A, %swap3A_788, %swap3A_789], %swap3A_792 {strides = array<i32>} : memref<1x1x1024xi32, #tpu.memory_space<vmem>>, vector<1x1x1024xi32>,
    return
  }
  func.func @transform_0(%arg0: i32) -> (i32, i32, i32) {
    %jit3A = arith.constant 1 : i32
    %div3A = arith.divsi %arg0, %jit3A : i32
    %sign3A = arith.constant 0 : i32
    %sign3A_0 = arith.cmpi sgt, %arg0, %sign3A : i32
    %sign3A_1 = arith.extui %sign3A_0 : i1 to i32
    %sign3A_2 = arith.constant 0 : i32
    %sign3A_3 = arith.cmpi slt, %arg0, %sign3A_2 : i32
    %sign3A_4 = arith.extui %sign3A_3 : i1 to i32
    %sign3A_5 = arith.subi %sign3A_1, %sign3A_4 : i32
    %sign3A_6 = arith.constant 0 : i32
    %sign3A_7 = arith.cmpi sgt, %jit3A, %sign3A_6 : i32
    %sign3A_8 = arith.extui %sign3A_7 : i1 to i32
    %sign3A_9 = arith.constant 0 : i32
    %sign3A_10 = arith.cmpi slt, %jit3A, %sign3A_9 : i32
    %sign3A_11 = arith.extui %sign3A_10 : i1 to i32
    %sign3A_12 = arith.subi %sign3A_8, %sign3A_11 : i32
    %ne3A = arith.cmpi ne, %sign3A_5, %sign3A_12 : i32
    %rem3A = arith.remsi %arg0, %jit3A : i32
    %ne3A_13 = arith.constant 0 : i32
    %ne3A_14 = arith.cmpi ne, %rem3A, %ne3A_13 : i32
    %and3A = arith.andi %ne3A, %ne3A_14 : i1
    %sub3A = arith.constant 1 : i32
    %sub3A_15 = arith.subi %div3A, %sub3A : i32
    %select_n3A = arith.select %and3A, %sub3A_15, %div3A : i32
    %add3A = arith.constant 0 : i32
    %add3A_16 = arith.addi %add3A, %select_n3A : i32
    %jit3A_17 = arith.constant 1 : i32
    %eq3A = arith.constant 0 : i32
    %eq3A_18 = arith.cmpi eq, %jit3A_17, %eq3A : i32
    %jit3A_19 = arith.constant 1 : i32
    %select_n3A_20 = arith.select %eq3A_18, %jit3A_19, %jit3A_17 : i32
    %rem3A_21 = arith.remsi %arg0, %select_n3A_20 : i32
    %ne3A_22 = arith.constant 0 : i32
    %ne3A_23 = arith.cmpi ne, %rem3A_21, %ne3A_22 : i32
    %lt3A = arith.constant 0 : i32
    %lt3A_24 = arith.cmpi slt, %rem3A_21, %lt3A : i32
    %lt3A_25 = arith.constant 0 : i32
    %lt3A_26 = arith.cmpi slt, %select_n3A_20, %lt3A_25 : i32
    %ne3A_27 = arith.xori %lt3A_24, %lt3A_26 : i1
    %and3A_28 = arith.andi %ne3A_27, %ne3A_23 : i1
    %add3A_29 = arith.addi %rem3A_21, %select_n3A_20 : i32
    %select_n3A_30 = arith.select %and3A_28, %add3A_29, %rem3A_21 : i32
    %c0_i32 = arith.constant 0 : i32
    %c0_i32_31 = arith.constant 0 : i32
    return %add3A_16, %c0_i32, %select_n3A_30 : i32, i32, i32
  }
  func.func @transform_1(%arg0: i32) -> (i32, i32) {
    %c0_i32 = arith.constant 0 : i32
    %c0_i32_0 = arith.constant 0 : i32
    %c0_i32_1 = arith.constant 0 : i32
    return %c0_i32, %c0_i32_0 : i32, i32
  }
  func.func @transform_2(%arg0: i32) -> (i32, i32) {
    %c0_i32 = arith.constant 0 : i32
    %c0_i32_0 = arith.constant 0 : i32
    %c0_i32_1 = arith.constant 0 : i32
    return %c0_i32, %c0_i32_0 : i32, i32
  }
  func.func @transform_3(%arg0: i32) -> (i32, i32, i32) {
    %c0_i32 = arith.constant 0 : i32
    %c0_i32_0 = arith.constant 0 : i32
    %c0_i32_1 = arith.constant 0 : i32
    return %arg0, %c0_i32, %c0_i32_0 : i32, i32, i32
  }
}

</mosaic_0001>

<sc_bundles>
// kernel: kernel.6.cloned.1.call-start
scs
__scs_entry_jumppad:
0x0: {  	(pc) =	sbr.rel $0x88, $3  }
0x1: {  	(tag) =	ssettag $0x0;
	lr =	simm.s32 $0x1  }
0x2: {  	[smem:$0x3F9F] =	sst lr;
	_ =	strace $0xD0000000  }
0x3: {  	_ = 	snop  }
0x4: {  	_ = 	snop  }
0x5: {  	_ = 	snop  }
0x6: {  	_ = 	snop  }
0x7: {  	_ = 	snop  }
__scs_overlays_trampoline_lowered:
0x8: {  	[smem:$0x3FAE] =	sst s0  }
0x9: {  	[smem:$0x3FAF] =	sst s1  }
0xa: {  	[smem:$0x3FB0] =	sst s2  }
0xb: {  	[smem:$0x3FB1] =	sst s3  }
0xc: {  	[smem:$0x3FB2] =	sst s4  }
0xd: {  	[smem:$0x3FB3] =	sst s5  }
0xe: {  	[smem:$0x3FB4] =	sst s6  }
0xf: {  	[smem:$0x3FB5] =	sst s7  }
0x10: {  	[smem:$0x3FB6] =	sst s8  }
0x11: {  	[smem:$0x3FB7] =	sst s9;
	s0 =	simm.s32 @!p0 $0x0  }
0x12: {  	s1 =	sld [smem:$0x3F9D];
	s0 =	simm.s32 @p0 $0x1  }
0x13: {  	[smem:$0x3FB8] =	sst s0;
	s0 =	simm.s32 @!p1 $0x0  }
0x14: {  	s2 =	sld [smem:$0x3F9C];
	s0 =	simm.s32 @p1 $0x1  }
0x15: {  	[smem:$0x3FB9] =	sst s0;
	s0 =	simm.s32 @!p2 $0x0  }
0x16: {  	s3 =	sld [smem:$0x3FDB];
	s0 =	simm.s32 @p2 $0x1  }
0x17: {  	s4 =	simm.s32 $0x1BF5;
	[smem:$0x3FBB] =	sst s0  }
0x18: {  	s0 =	sld [smem:$0x3F9E];
	_ =	swait.ge [sflag:s4], $0x0  }
0x19: {  	s7 =	sld [smem:$0x3F9F]  }
0x1a: {  	s8 =	sadd.s32 $0xFFFFE003, lr  }
0x1b: {  	s9 =	sadd.s32 $0xFFFFFEF7, lr;
	s5 =	simm.s32 $0xFFFFFFFF;
	p2 =	slt.u32 s8, $0xFFFFF086  }
0x1c: {  	p1 =	slt.u32 s9, $0xF7A;
	s5 =	simm.s32 @!p2 $0x0  }
0x1d: {  	s5 =	simm.s32 @p1 $0x1;
	p0 =	seq.s32 s7, s2  }
0x1e: {  	s7 =	smul.u32 @!p0 $0xF7A, s2;
	p2 =	seq.s32 @!p0 s5, $0x0  }
0x1f: {  	s9 =	smul.u32 $0xF7A, s1;
	s8 =	simm.s32 @!p0 $0x1BF5;
	p2 =	por !p2, p0  }
0x20: {  	[sflag:s8] =	ssyncset.s32 @!p0 $0xFFFFF086;
	s6 =	sadd.s32 @!p0 s3, s7;
	s7 =	simm.s32 @!p0 $0x108  }
0x21: {  	s3 =	sadd.s32 s3, s9;
	s6 =	sadd.s32 @!p0 $0x88, s6;
	s7 =	simm.s32 @p2 $0x1082  }
0x22: {  	[simem:s7], [sflag:s8] =	dma.local @!p0 [hbm:s6], $0xF7A  }
0x23: {  	s9 =	sor.u32 $0xD0000000, s2;
	s6 =	simm.s32 $0x108;
	_ =	swait.ge @!p0 [sflag:s8], $0x0  }
0x24: {  	s3 =	sadd.s32 $0x88, s3;
	s6 =	simm.s32 @!p1 $0x1082;
	[sflag:s4] =	ssyncset.s32 $0xFFFFF086  }
0x25: {  	[simem:s6], [sflag:s4] =	dma.local [hbm:s3], $0xF7A  }
0x26: {  	[smem:$0x3F9F] =	sst s1;
	(tag) =	ssettag s2;
	_ =	strace s9  }
0x27: {  	s1 =	sld [smem:$0x3FAF]  }
0x28: {  	s2 =	sld [smem:$0x3FB0]  }
0x29: {  	s4 =	sld [smem:$0x3FB2]  }
0x2a: {  	p0 =	seq.s32 s5, $0x0;
	s5 =	sld [smem:$0x3FB3]  }
0x2b: {  	s6 =	sld [smem:$0x3FB4]  }
0x2c: {  	s7 =	sld [smem:$0x3FB5]  }
0x2d: {  	s3 =	simm.s32 $0x108;
	s8 =	sld [smem:$0x3FB6]  }
0x2e: {  	s3 =	simm.s32 @!p0 $0x1082;
	s9 =	sld [smem:$0x3FB7]  }
0x2f: {  	lr =	sadd.s32 s0, s3;
	s0 =	sld [smem:$0x3FAE]  }
0x30: {  	s3 =	sld [smem:$0x3FB1]  }
0x31: {  	[smem:$0x3FBA] =	sst s10  }
0x32: {  	s10 =	sld [smem:$0x3FB8];
	_ =	sdelay $0x3  }
0x33: {  	p0 =	seq.s32 s10, $0x1;
	s10 =	sld [smem:$0x3FBA];
	_ =	sdelay $0x3  }
0x34: {  	[smem:$0x3FBA] =	sst s10  }
0x35: {  	s10 =	sld [smem:$0x3FB9];
	_ =	sdelay $0x3  }
0x36: {  	p1 =	seq.s32 s10, $0x1;
	s10 =	sld [smem:$0x3FBA];
	_ =	sdelay $0x3  }
0x37: {  	[smem:$0x3FBA] =	sst s10  }
0x38: {  	s10 =	sld [smem:$0x3FBB]  }
0x39: {  	_ = 	snop;
	(pc) =	sbr.ind lr, $3  }
0x3a: {  	_ = 	snop  }
0x3b: {  	_ = 	snop  }
0x3c: {  	p2 =	seq.s32 s10, $0x1;
	s10 =	sld [smem:$0x3FBA]  }
0x3d: {  	_ =	shalt  }
0x3e: {  	_ =	shalt  }
0x3f: {  	_ =	shalt  }
0x40: {  	_ =	shalt  }
0x41: {  	_ =	shalt  }
0x42: {  	_ =	shalt  }
0x43: {  	_ =	shalt  }
0x44: {  	_ =	shalt  }
0x45: {  	_ =	shalt  }
0x46: {  	_ =	shalt  }
0x47: {  	_ =	shalt  }
0x48: {  	_ =	shalt  }
0x49: {  	_ =	shalt  }
0x4a: {  	_ =	shalt  }
0x4b: {  	_ =	shalt  }
0x4c: {  	_ =	shalt  }
0x4d: {  	_ =	shalt  }
0x4e: {  	_ =	shalt  }
0x4f: {  	_ =	shalt  }
0x50: {  	_ =	shalt  }
0x51: {  	_ =	shalt  }
0x52: {  	_ =	shalt  }
0x53: {  	_ =	shalt  }
0x54: {  	_ =	shalt  }
0x55: {  	_ =	shalt  }
0x56: {  	_ =	shalt  }
0x57: {  	_ =	shalt  }
0x58: {  	_ =	shalt  }
0x59: {  	_ =	shalt  }
0x5a: {  	_ =	shalt  }
0x5b: {  	_ =	shalt  }
0x5c: {  	_ =	shalt  }
0x5d: {  	_ =	shalt  }
0x5e: {  	_ =	shalt  }
0x5f: {  	_ =	shalt  }
0x60: {  	_ =	shalt  }
0x61: {  	_ =	shalt  }
0x62: {  	_ =	shalt  }
0x63: {  	_ =	shalt  }
0x64: {  	_ =	shalt  }
0x65: {  	_ =	shalt  }
0x66: {  	_ =	shalt  }
0x67: {  	_ =	shalt  }
0x68: {  	_ =	shalt  }
0x69: {  	_ =	shalt  }
0x6a: {  	_ =	shalt  }
0x6b: {  	_ =	shalt  }
0x6c: {  	_ =	shalt  }
0x6d: {  	_ =	shalt  }
0x6e: {  	_ =	shalt  }
0x6f: {  	_ =	shalt  }
0x70: {  	_ =	shalt  }
0x71: {  	_ =	shalt  }
0x72: {  	_ =	shalt  }
0x73: {  	_ =	shalt  }
0x74: {  	_ =	shalt  }
0x75: {  	_ =	shalt  }
0x76: {  	_ =	shalt  }
0x77: {  	_ =	shalt  }
0x78: {  	_ =	shalt  }
0x79: {  	_ =	shalt  }
0x7a: {  	_ =	shalt  }
0x7b: {  	_ =	shalt  }
0x7c: {  	_ =	shalt  }
0x7d: {  	_ =	shalt  }
0x7e: {  	_ =	shalt  }
0x7f: {  	_ =	shalt  }
0x80: {  	_ =	shalt  }
0x81: {  	_ =	shalt  }
0x82: {  	_ =	shalt  }
0x83: {  	_ =	shalt  }
0x84: {  	_ =	shalt  }
0x85: {  	_ =	shalt  }
0x86: {  	_ =	shalt  }
0x87: {  	_ =	shalt  }
.Lfunc_end0:
.L_simem_size_0:
called_computation_lowered:
.L_overlay_start_0:
0x88: {  	s2 =	sld [smem:$0x3FD9]  }
0x89: {  	s3 =	sld [smem:$0x3FFE];
	_ =	sdelay $0x1  }
0x8a: {  	s1 =	srdreg.scid  }
0x8b: {  	s0 =	sand.u32 $0x1, s1  }
0x8c: {  	s17 =	sshll.u32 s0, $0xA;
	s2 =	sadd.s32 s3, s2  }
0x8d: {  	s2 =	sadd.s32 s2, s17  }
0x8e: {  	[smem:$0x3FC6] =	sst s2  }
0x8f: {  	_ = 	snop  }
0x90: {  	s18 =	sld [smem:$0x3FD0];
	(tm) =	ssettm $0x1  }
0x91: {  	s19 =	sld [smem:$0x3FFB];
	_ =	sdelay $0x3  }
0x92: {  	_ =	strace s19  }
0x93: {  	s2 =	sld [smem:$0x3FFC];
	_ =	sdelay $0x3  }
0x94: {  	_ =	strace s2  }
0x95: {  	s2 =	sld [smem:$0x3FFD];
	_ =	sdelay $0x3  }
0x96: {  	_ =	strace s2  }
0x97: {  	_ =	strace $0x8FFFFFFF  }
0x98: {  	s20 =	sld [smem:$0x3FDB];
	_ =	sdelay $0x1  }
0x99: {  	s4 =	simm.s32 $_scs_section_size  }
0x9a: {  	s5 =	simm.s32 $_size__tile_overlayer_lowered;
	s6 =	simm.s32 $_tile_overlayer_lowered  }
0x9b: {  	s7 =	simm.s32 $0x1BFF;
	s21 =	sshll.u32 s6, $0x1;
	s4 =	sadd.s32 s4, s20  }
0x9c: {  	s22 =	simm.s32 $0x0;
	s5 =	sshll.u32 s5, $0x1;
	s6 =	sadd.s32 s21, s4  }
0x9d: {  	[timem:s22], [sflag:s7] =	dma.local [hbm:s6], s5  }
0x9e: {  	_ =	swait.ge [sflag:s7], s5  }
0x9f: {  	s5 =	ssub.s32 $0x0, s5;
	[sflag:s7] =	ssyncset.done $0x0  }
0xa0: {  	[sflag:s7] =	ssyncadd.s32 s5;
	_ =	sdelay $0x1  }
0xa1: {  	s23 =	simm.s32 $0x1B8B  }
0xa2: {  	_ =	swait.ge [sflag:s23], $0x1  }
0xa3: {  	[sflag:s23] =	ssyncset.done $0x0  }
0xa4: {  	[sflag:s23] =	ssyncadd.s32 $0xFFFFFFFF  }
0xa5: {  	s5 =	sld [smem:$0x0]  }
0xa6: {  	s6 =	sand.u32 $0xFFFFFFFE, s1  }
0xa7: {  	p0 =	sne.s32 s1, s6  }
0xa8: {  	s6 =	sshll.u32 @p0 s6, $0xE  }
0xa9: {  	s6 =	sadd.s32 @p0 $0x11B8D, s6;
	s7 =	sshll.u32 @p0 s5, $0x11  }
0xaa: {  	s6 =	sor.u32 @p0 s7, s6  }
0xab: {  	[sflag:s6] =	ssyncadd.remote.s32 @p0 $0x1;
	_ =	sdelay $0x1  }
0xac: {  	s6 =	simm.s32 @p0 $0x1B8D  }
0xad: {  	_ =	swait.eq @p0 [sflag:s6], $0x1  }
0xae: {  	[sflag:s6] =	ssyncadd.s32 @p0 $0xFFFFFFFF  }
0xaf: {  	s7 =	sshll.u32 @!p0 s1, $0xE  }
0xb0: {  	s7 =	sor.u32 @!p0 $0x4000, s7;
	s6 =	simm.s32 @!p0 $0x1B8D  }
0xb1: {  	s5 =	sshll.u32 @!p0 s5, $0x11;
	s7 =	sadd.s32 @!p0 $0x11B8D, s7;
	_ =	swait.eq @!p0 [sflag:s6], $0x1  }
0xb2: {  	s5 =	sor.u32 @!p0 s5, s7;
	[sflag:s6] =	ssyncadd.s32 @!p0 $0xFFFFFFFF  }
0xb3: {  	s25 =	simm.s32 $0x1B8E;
	s24 =	sld [smem:$0x3FFE];
	[sflag:s5] =	ssyncadd.remote.s32 @!p0 $0x1  }
0xb4: {  	s26 =	simm.s32 $execute0_lowered;
	[smem:$0x3FD2] =	sst s25  }
0xb5: {  	s6 =	sshll.u32 s26, $0x1;
	_ =	strace $0x80000049;
	[dreg:$0x1] =	wrdreg $0xFFFFFFFF  }
0xb6: {  	s28 =	simm.s32 $_size_execute0_lowered;
	s4 =	sadd.s32 s4, s6;
	[dreg:$0x0] =	wrdreg $0x0  }
0xb7: {  	s6 =	sshll.u32 s28, $0x1;
	[dreg:$0x2] =	wrdreg s4  }
0xb8: {  	[dreg:$0x3] =	wrdreg s6  }
0xb9: {  	[dreg:$0x4] =	wrdreg $0xC0  }
0xba: {  	_ =	task [dreg:s22], $0x5FFFF  }
0xbb: {  	[dreg:$0x1] =	wrdreg $0xFFFFFFFF  }
0xbc: {  	[dreg:$0x0] =	wrdreg $0x60  }
0xbd: {  	[dreg:$0x2] =	wrdreg s18  }
0xbe: {  	[dreg:$0x3] =	wrdreg s24  }
0xbf: {  	[dreg:$0x4] =	wrdreg $0x9  }
0xc0: {  	_ =	task.clear_ibuf [dreg:s22], $0x5FFFF;
	_ =	strace $0x90000049  }
0xc1: {  	s29 =	simm.s32 $0x9;
	_ =	strace $0x8000004B  }
0xc2: {  	_ =	swait.ge [sflag:s29], $0x1  }
0xc3: {  	[sflag:s29] =	ssyncadd.s32 $0xFFFFFFFF  }
0xc4: {  	_ =	strace $0x9000004B  }
0xc5: {  	_ =	sfence  }
0xc6: {  	s30 =	sld [smem:$0x0];
	_ =	sdelay $0x2  }
0xc7: {  	s31 =	sshll.u32 s1, $0xD;
	s1 =	sshrl.u32 s1, $0x2  }
0xc8: {  	s4 =	sand.u32 $0x4000, s31;
	s1 =	sadd.s32 s1, s30  }
0xc9: {  	s0 =	sor.u32 s4, s0;
	s1 =	sshll.u32 s1, $0x11  }
0xca: {  	s0 =	sor.u32 s1, s0  }
0xcb: {  	s0 =	sadd.s32 $0x8F2B, s0  }
0xcc: {  	[sflag:s0] =	ssyncadd.remote.s32 $0x1  }
0xcd: {  	_ =	sfence.sel $0xFFFF  }
0xce: {  	[dreg:$0x0] =	wrdreg $0xFFFFFFFF;
	(pc) =	sbr.abs _section_cstart, $3  }
0xcf: {  	[dreg:$0x1] =	wrdreg $0xFFFFFFFF  }
0xd0: {  	_ =	task.clear_ibuf [dreg:s22], $0x2FFFF;
	_ =	strace $0x9FFFFFFF  }
0xd1: {  	(tm) =	ssettm $0x7FFFFFFF  }
tec
execute0_lowered:
.L_overlay_start_1:
0x0: {  	(tag) =	ssettag $0x1  }
0x1: {  	s1 =	srdreg.scid  }
0x2: {  	s0 =	stileid.u32;
	s6 =	sand.u32 $0x1, s1  }
0x3: {  	s2 =	rddreg [dreg:$0x0];
	s30 =	sshll.u32 s0, $0x8;
	s3 =	sshll.u32 s6, $0x7  }
0x4: {  	s8 =	rddreg [dreg:$0x1];
	s7 =	simm.s32 $0x1;
	s9 =	sor.u32 s3, s30  }
0x5: {  	s1 =	rddreg [dreg:$0x2];
	s3 =	simm.s32 $0x0;
	s4 =	sshrl.u32 s9, $0x3  }
0x6: {  	s10 =	ssub.s32 $0x2, s6;
	[smem:$0x7FF] =	sst s3;
	s4 =	sadd.s32 s4, s8  }
0x7: {  	_ =	strace $0x8000004A;
	s5 =	sadd.s32 $0x11200, s4;
	s4 =	simm.s32 $0x2  }
0x8: {  	[tilespmem:s3], [sflag:$0x2] =	stream.linear.gather [hbm4b:s5+s3], $0x80, $0x38;
	[tilespmem:$0x4080] =	vst v63  }
0x9: {  	s6 =	simm.s32 $0x80;
	s11 =	sshrl.u32 s10, $0x1;
	_ =	swait.ge [sflag:s4], $0x80  }
0xa: {  	s9 =	sshll.u32 s9, $0x4;
	s31 =	ssub.s32 s10, s11;
	[sflag:s4] =	ssyncset.done $0x0  }
0xb: {  	s8 =	sadd.s32 s9, s8;
	s9 =	smax.u32 s31, $0x1;
	[sflag:s4] =	ssyncadd.s32 $0xFFFFFF80  }
0xc: {  	[tilespmem:s6], [sflag:$0x1] =	stream.indirect.gather [hbm4b:s2+s6], $0x80, s3, s6, $0xb8;
	[tilespmem:$0x4080] =	vst v63  }
0xd: {  	p0 =	sne.s32 s9, $0x1;
	_ =	swait.ge [sflag:s7], $0x4000  }
.Ltmp0:
0xe: {  	[sflag:s7] =	ssyncset.done $0x0;
	(pc) =	sbr.rel @!p0 .LBB2_2-.Ltmp0, $4  }
0xf: {  	s8 =	sadd.s32 $0x11400, s8;
	[sflag:s7] =	ssyncadd.s32 $0xFFFFC000  }
0x10: {  	[hbm4b:s8+s3] =	stream.linear.scatter [tilespmem:s6], [sflag:$0x2], $0x4000, $0x38;
	[tilespmem:$0x4080] =	vst v63  }
0x11: {  	_ =	swait.ge [sflag:s4], $0x4000  }
0x12: {  	s9 =	sadd.s32 $0xFFFFFFFF, s9;
	[sflag:s4] =	ssyncset.done $0x0  }
.LBB2_1:
0x13: {  	p0 =	sne.s32 s9, $0x1;
	s9 =	sadd.s32 $0xFFFFFFFF, s9;
	[sflag:s4] =	ssyncadd.s32 $0xFFFFC000  }
0x14: {  	[tilespmem:s3], [sflag:$0x2] =	stream.linear.gather [hbm4b:s5+s3], $0x80, $0x38;
	[tilespmem:$0x4080] =	vst v63  }
0x15: {  	_ =	swait.ge [sflag:s4], $0x80  }
0x16: {  	[sflag:s4] =	ssyncset.done $0x0  }
0x17: {  	[sflag:s4] =	ssyncadd.s32 $0xFFFFFF80  }
0x18: {  	[tilespmem:s6], [sflag:$0x1] =	stream.indirect.gather [hbm4b:s2+s6], $0x80, s3, s6, $0xb8;
	[tilespmem:$0x4080] =	vst v63  }
0x19: {  	_ =	swait.ge [sflag:s7], $0x4000  }
.Ltmp1:
0x1a: {  	[sflag:s7] =	ssyncset.done $0x0;
	(pc) =	sbr.rel @p0 .LBB2_1-.Ltmp1, $4  }
0x1b: {  	[sflag:s7] =	ssyncadd.s32 $0xFFFFC000  }
0x1c: {  	[hbm4b:s8+s3] =	stream.linear.scatter [tilespmem:s6], [sflag:$0x2], $0x4000, $0x38;
	[tilespmem:$0x4080] =	vst v63  }
0x1d: {  	_ =	swait.ge [sflag:s4], $0x4000  }
0x1e: {  	[sflag:s4] =	ssyncset.done $0x0  }
.LBB2_2:
0x1f: {  	[sflag:s4] =	ssyncadd.s32 $0xFFFFC000  }
0x20: {  	_ =	sfence.sel $0x180000  }
0x21: {  	[bflag:$0x0] =	sbarrier.arrive $0xFFFF  }
0x22: {  	p0 =	sne.s32 s0, $0x0;
	_ =	strace $0x9000004A  }
0x23: {  	s0 =	sadd.s32 @!p0 $0x100000, s1;
	[bflag:$0x2] =	sbarrier.arrive $0xFFFF  }
0x24: {  	[sflag:s0] =	ssyncadd.tile.s32 @!p0 $0x1;
	_ =	shalt  }
.Lfunc_end2:
_tile_overlayer_lowered:
.L_overlay_start_2:
0x25: {  	(tag) =	ssettag $0x2  }
0x26: {  	s0 =	rddreg [dreg:$0x0];
	s2 =	stileid.u32  }
0x27: {  	s1 =	rddreg [dreg:$0x1];
	p0 =	sne.s32 s2, $0x0  }
0x28: {  	s3 =	rddreg [dreg:$0x2];
	[bflag:$0x3] =	sbarrier.arrive $0xFFFF;
	s2 =	simm.s32 @!p0 $0x1C02  }
0x29: {  	[timem:s3], [sflag:s2] =	dma.local @!p0 [hbm:s0], s1  }
0x2a: {  	s0 =	simm.s32 @!p0 $0x2  }
0x2b: {  	_ =	swait.ge @!p0 [sflag:s0], s1  }
0x2c: {  	s1 =	ssub.s32 @!p0 $0x0, s1;
	[sflag:s0] =	ssyncset.done @!p0 $0x0  }
0x2d: {  	[sflag:s0] =	ssyncadd.s32 @!p0 s1  }
0x2e: {  	[bflag:$0x3] =	sbarrier.arrive $0xFFFF  }
0x2f: {  	_ =	shalt  }

// kernel: kernel.9.cloned.1.call-start
scs
__scs_entry_jumppad:
0x0: {  	(pc) =	sbr.rel $0x88, $3  }
0x1: {  	(tag) =	ssettag $0x0;
	lr =	simm.s32 $0x1  }
0x2: {  	[smem:$0x3F9F] =	sst lr;
	_ =	strace $0xD0000000  }
0x3: {  	_ = 	snop  }
0x4: {  	_ = 	snop  }
0x5: {  	_ = 	snop  }
0x6: {  	_ = 	snop  }
0x7: {  	_ = 	snop  }
__scs_overlays_trampoline_lowered:
0x8: {  	[smem:$0x3FAE] =	sst s0  }
0x9: {  	[smem:$0x3FAF] =	sst s1  }
0xa: {  	[smem:$0x3FB0] =	sst s2  }
0xb: {  	[smem:$0x3FB1] =	sst s3  }
0xc: {  	[smem:$0x3FB2] =	sst s4  }
0xd: {  	[smem:$0x3FB3] =	sst s5  }
0xe: {  	[smem:$0x3FB4] =	sst s6  }
0xf: {  	[smem:$0x3FB5] =	sst s7  }
0x10: {  	[smem:$0x3FB6] =	sst s8  }
0x11: {  	[smem:$0x3FB7] =	sst s9;
	s0 =	simm.s32 @!p0 $0x0  }
0x12: {  	s1 =	sld [smem:$0x3F9D];
	s0 =	simm.s32 @p0 $0x1  }
0x13: {  	[smem:$0x3FB8] =	sst s0;
	s0 =	simm.s32 @!p1 $0x0  }
0x14: {  	s2 =	sld [smem:$0x3F9C];
	s0 =	simm.s32 @p1 $0x1  }
0x15: {  	[smem:$0x3FB9] =	sst s0;
	s0 =	simm.s32 @!p2 $0x0  }
0x16: {  	s3 =	sld [smem:$0x3FDB];
	s0 =	simm.s32 @p2 $0x1  }
0x17: {  	s4 =	simm.s32 $0x1BF5;
	[smem:$0x3FBB] =	sst s0  }
0x18: {  	s0 =	sld [smem:$0x3F9E];
	_ =	swait.ge [sflag:s4], $0x0  }
0x19: {  	s7 =	sld [smem:$0x3F9F]  }
0x1a: {  	s8 =	sadd.s32 $0xFFFFE003, lr  }
0x1b: {  	s9 =	sadd.s32 $0xFFFFFEF7, lr;
	s5 =	simm.s32 $0xFFFFFFFF;
	p2 =	slt.u32 s8, $0xFFFFF086  }
0x1c: {  	p1 =	slt.u32 s9, $0xF7A;
	s5 =	simm.s32 @!p2 $0x0  }
0x1d: {  	s5 =	simm.s32 @p1 $0x1;
	p0 =	seq.s32 s7, s2  }
0x1e: {  	s7 =	smul.u32 @!p0 $0xF7A, s2;
	p2 =	seq.s32 @!p0 s5, $0x0  }
0x1f: {  	s9 =	smul.u32 $0xF7A, s1;
	s8 =	simm.s32 @!p0 $0x1BF5;
	p2 =	por !p2, p0  }
0x20: {  	[sflag:s8] =	ssyncset.s32 @!p0 $0xFFFFF086;
	s6 =	sadd.s32 @!p0 s3, s7;
	s7 =	simm.s32 @!p0 $0x108  }
0x21: {  	s3 =	sadd.s32 s3, s9;
	s6 =	sadd.s32 @!p0 $0x88, s6;
	s7 =	simm.s32 @p2 $0x1082  }
0x22: {  	[simem:s7], [sflag:s8] =	dma.local @!p0 [hbm:s6], $0xF7A  }
0x23: {  	s9 =	sor.u32 $0xD0000000, s2;
	s6 =	simm.s32 $0x108;
	_ =	swait.ge @!p0 [sflag:s8], $0x0  }
0x24: {  	s3 =	sadd.s32 $0x88, s3;
	s6 =	simm.s32 @!p1 $0x1082;
	[sflag:s4] =	ssyncset.s32 $0xFFFFF086  }
0x25: {  	[simem:s6], [sflag:s4] =	dma.local [hbm:s3], $0xF7A  }
0x26: {  	[smem:$0x3F9F] =	sst s1;
	(tag) =	ssettag s2;
	_ =	strace s9  }
0x27: {  	s1 =	sld [smem:$0x3FAF]  }
0x28: {  	s2 =	sld [smem:$0x3FB0]  }
0x29: {  	s4 =	sld [smem:$0x3FB2]  }
0x2a: {  	p0 =	seq.s32 s5, $0x0;
	s5 =	sld [smem:$0x3FB3]  }
0x2b: {  	s6 =	sld [smem:$0x3FB4]  }
0x2c: {  	s7 =	sld [smem:$0x3FB5]  }
0x2d: {  	s3 =	simm.s32 $0x108;
	s8 =	sld [smem:$0x3FB6]  }
0x2e: {  	s3 =	simm.s32 @!p0 $0x1082;
	s9 =	sld [smem:$0x3FB7]  }
0x2f: {  	lr =	sadd.s32 s0, s3;
	s0 =	sld [smem:$0x3FAE]  }
0x30: {  	s3 =	sld [smem:$0x3FB1]  }
0x31: {  	[smem:$0x3FBA] =	sst s10  }
0x32: {  	s10 =	sld [smem:$0x3FB8];
	_ =	sdelay $0x3  }
0x33: {  	p0 =	seq.s32 s10, $0x1;
	s10 =	sld [smem:$0x3FBA];
	_ =	sdelay $0x3  }
0x34: {  	[smem:$0x3FBA] =	sst s10  }
0x35: {  	s10 =	sld [smem:$0x3FB9];
	_ =	sdelay $0x3  }
0x36: {  	p1 =	seq.s32 s10, $0x1;
	s10 =	sld [smem:$0x3FBA];
	_ =	sdelay $0x3  }
0x37: {  	[smem:$0x3FBA] =	sst s10  }
0x38: {  	s10 =	sld [smem:$0x3FBB]  }
0x39: {  	_ = 	snop;
	(pc) =	sbr.ind lr, $3  }
0x3a: {  	_ = 	snop  }
0x3b: {  	_ = 	snop  }
0x3c: {  	p2 =	seq.s32 s10, $0x1;
	s10 =	sld [smem:$0x3FBA]  }
0x3d: {  	_ =	shalt  }
0x3e: {  	_ =	shalt  }
0x3f: {  	_ =	shalt  }
0x40: {  	_ =	shalt  }
0x41: {  	_ =	shalt  }
0x42: {  	_ =	shalt  }
0x43: {  	_ =	shalt  }
0x44: {  	_ =	shalt  }
0x45: {  	_ =	shalt  }
0x46: {  	_ =	shalt  }
0x47: {  	_ =	shalt  }
0x48: {  	_ =	shalt  }
0x49: {  	_ =	shalt  }
0x4a: {  	_ =	shalt  }
0x4b: {  	_ =	shalt  }
0x4c: {  	_ =	shalt  }
0x4d: {  	_ =	shalt  }
0x4e: {  	_ =	shalt  }
0x4f: {  	_ =	shalt  }
0x50: {  	_ =	shalt  }
0x51: {  	_ =	shalt  }
0x52: {  	_ =	shalt  }
0x53: {  	_ =	shalt  }
0x54: {  	_ =	shalt  }
0x55: {  	_ =	shalt  }
0x56: {  	_ =	shalt  }
0x57: {  	_ =	shalt  }
0x58: {  	_ =	shalt  }
0x59: {  	_ =	shalt  }
0x5a: {  	_ =	shalt  }
0x5b: {  	_ =	shalt  }
0x5c: {  	_ =	shalt  }
0x5d: {  	_ =	shalt  }
0x5e: {  	_ =	shalt  }
0x5f: {  	_ =	shalt  }
0x60: {  	_ =	shalt  }
0x61: {  	_ =	shalt  }
0x62: {  	_ =	shalt  }
0x63: {  	_ =	shalt  }
0x64: {  	_ =	shalt  }
0x65: {  	_ =	shalt  }
0x66: {  	_ =	shalt  }
0x67: {  	_ =	shalt  }
0x68: {  	_ =	shalt  }
0x69: {  	_ =	shalt  }
0x6a: {  	_ =	shalt  }
0x6b: {  	_ =	shalt  }
0x6c: {  	_ =	shalt  }
0x6d: {  	_ =	shalt  }
0x6e: {  	_ =	shalt  }
0x6f: {  	_ =	shalt  }
0x70: {  	_ =	shalt  }
0x71: {  	_ =	shalt  }
0x72: {  	_ =	shalt  }
0x73: {  	_ =	shalt  }
0x74: {  	_ =	shalt  }
0x75: {  	_ =	shalt  }
0x76: {  	_ =	shalt  }
0x77: {  	_ =	shalt  }
0x78: {  	_ =	shalt  }
0x79: {  	_ =	shalt  }
0x7a: {  	_ =	shalt  }
0x7b: {  	_ =	shalt  }
0x7c: {  	_ =	shalt  }
0x7d: {  	_ =	shalt  }
0x7e: {  	_ =	shalt  }
0x7f: {  	_ =	shalt  }
0x80: {  	_ =	shalt  }
0x81: {  	_ =	shalt  }
0x82: {  	_ =	shalt  }
0x83: {  	_ =	shalt  }
0x84: {  	_ =	shalt  }
0x85: {  	_ =	shalt  }
0x86: {  	_ =	shalt  }
0x87: {  	_ =	shalt  }
.Lfunc_end0:
.L_simem_size_0:
called_computation.1_lowered:
.L_overlay_start_0:
0x88: {  	s2 =	sld [smem:$0x3FD9]  }
0x89: {  	s3 =	sld [smem:$0x3FFE];
	_ =	sdelay $0x1  }
0x8a: {  	s1 =	srdreg.scid  }
0x8b: {  	s0 =	sand.u32 $0x1, s1  }
0x8c: {  	s17 =	sshll.u32 s0, $0xA;
	s2 =	sadd.s32 s3, s2  }
0x8d: {  	s2 =	sadd.s32 s2, s17  }
0x8e: {  	[smem:$0x3FC6] =	sst s2  }
0x8f: {  	_ = 	snop  }
0x90: {  	s2 =	sld [smem:$0x3FD0];
	(tm) =	ssettm $0x1  }
0x91: {  	s18 =	sld [smem:$0x3FFB];
	_ =	sdelay $0x3  }
0x92: {  	_ =	strace s18  }
0x93: {  	s3 =	sld [smem:$0x3FFC];
	_ =	sdelay $0x3  }
0x94: {  	_ =	strace s3  }
0x95: {  	s3 =	sld [smem:$0x3FFD];
	_ =	sdelay $0x3  }
0x96: {  	_ =	strace s3  }
0x97: {  	_ =	strace $0x8FFFFFFF  }
0x98: {  	s19 =	sld [smem:$0x3FDB];
	_ =	sdelay $0x1  }
0x99: {  	s4 =	simm.s32 $_scs_section_size  }
0x9a: {  	s5 =	simm.s32 $_size__tile_overlayer_lowered;
	s6 =	simm.s32 $_tile_overlayer_lowered  }
0x9b: {  	s22 =	simm.s32 $0x1BFF;
	s21 =	sshll.u32 s6, $0x1;
	s3 =	sadd.s32 s4, s19  }
0x9c: {  	s7 =	simm.s32 $0x0;
	s20 =	sshll.u32 s5, $0x1;
	s5 =	sadd.s32 s21, s3  }
0x9d: {  	[timem:s7], [sflag:s22] =	dma.local [hbm:s5], s20  }
0x9e: {  	_ =	swait.ge [sflag:s22], s20  }
0x9f: {  	s4 =	ssub.s32 $0x0, s20;
	[sflag:s22] =	ssyncset.done $0x0  }
0xa0: {  	[sflag:s22] =	ssyncadd.s32 s4;
	_ =	sdelay $0x1  }
0xa1: {  	s23 =	simm.s32 $0x1B8B  }
0xa2: {  	_ =	swait.ge [sflag:s23], $0x1  }
0xa3: {  	[sflag:s23] =	ssyncset.done $0x0  }
0xa4: {  	s25 =	simm.s32 $0x1B8E;
	s24 =	sld [smem:$0x3FFE];
	[sflag:s23] =	ssyncadd.s32 $0xFFFFFFFF  }
0xa5: {  	s26 =	simm.s32 $execute0_lowered;
	[smem:$0x3FD2] =	sst s25  }
0xa6: {  	s5 =	sshll.u32 s26, $0x1;
	_ =	strace $0x80000046;
	[dreg:$0x1] =	wrdreg $0xFFFFFFFF  }
0xa7: {  	s28 =	simm.s32 $_size_execute0_lowered;
	s3 =	sadd.s32 s3, s5;
	[dreg:$0x0] =	wrdreg $0x0  }
0xa8: {  	s5 =	sshll.u32 s28, $0x1;
	[dreg:$0x2] =	wrdreg s3  }
0xa9: {  	[dreg:$0x3] =	wrdreg s5  }
0xaa: {  	[dreg:$0x4] =	wrdreg $0xC0  }
0xab: {  	_ =	task [dreg:s7], $0x5FFFF  }
0xac: {  	[dreg:$0x1] =	wrdreg $0xFFFFFFFF  }
0xad: {  	[dreg:$0x0] =	wrdreg $0x60  }
0xae: {  	[dreg:$0x2] =	wrdreg s2  }
0xaf: {  	[dreg:$0x3] =	wrdreg s24  }
0xb0: {  	[dreg:$0x4] =	wrdreg $0xA  }
0xb1: {  	_ =	task.clear_ibuf [dreg:s7], $0x5FFFF;
	_ =	strace $0x90000046  }
0xb2: {  	s29 =	simm.s32 $0xA;
	_ =	strace $0x80000048  }
0xb3: {  	_ =	swait.ge [sflag:s29], $0x1  }
0xb4: {  	[sflag:s29] =	ssyncadd.s32 $0xFFFFFFFF  }
0xb5: {  	_ =	strace $0x90000048  }
0xb6: {  	_ =	sfence  }
0xb7: {  	s30 =	sld [smem:$0x0];
	_ =	sdelay $0x2  }
0xb8: {  	s31 =	sshll.u32 s1, $0xD;
	s1 =	sshrl.u32 s1, $0x2  }
0xb9: {  	s3 =	sand.u32 $0x4000, s31;
	s1 =	sadd.s32 s1, s30  }
0xba: {  	s0 =	sor.u32 s3, s0;
	s1 =	sshll.u32 s1, $0x11  }
0xbb: {  	s0 =	sor.u32 s1, s0  }
0xbc: {  	s0 =	sadd.s32 $0x8F2B, s0  }
0xbd: {  	[sflag:s0] =	ssyncadd.remote.s32 $0x1  }
0xbe: {  	_ =	sfence.sel $0xFFFF  }
0xbf: {  	[dreg:$0x0] =	wrdreg $0xFFFFFFFF;
	(pc) =	sbr.abs _section_cstart, $3  }
0xc0: {  	[dreg:$0x1] =	wrdreg $0xFFFFFFFF  }
0xc1: {  	_ =	task.clear_ibuf [dreg:s7], $0x2FFFF;
	_ =	strace $0x9FFFFFFF  }
0xc2: {  	(tm) =	ssettm $0x7FFFFFFF  }
0xc3: {  	_ =	shalt  }
tec
execute0_lowered:
.L_overlay_start_1:
0x0: {  	(tag) =	ssettag $0x1  }
0x1: {  	s1 =	srdreg.scid  }
0x2: {  	s0 =	stileid.u32;
	s6 =	sand.u32 $0x1, s1  }
0x3: {  	s2 =	rddreg [dreg:$0x0];
	s30 =	sshll.u32 s0, $0x8;
	s3 =	sshll.u32 s6, $0x7  }
0x4: {  	s8 =	rddreg [dreg:$0x1];
	s7 =	simm.s32 $0x1;
	s9 =	sor.u32 s3, s30  }
0x5: {  	s1 =	rddreg [dreg:$0x2];
	s3 =	simm.s32 $0x0;
	s4 =	sshrl.u32 s9, $0x3  }
0x6: {  	s10 =	ssub.s32 $0x2, s6;
	[smem:$0x7FF] =	sst s3;
	s4 =	sadd.s32 s4, s8  }
0x7: {  	_ =	strace $0x80000047;
	s5 =	sadd.s32 $0x1000, s4;
	s4 =	simm.s32 $0x2  }
0x8: {  	[tilespmem:s3], [sflag:$0x2] =	stream.linear.gather [hbm4b:s5+s3], $0x80, $0x38;
	[tilespmem:$0x4080] =	vst v63  }
0x9: {  	s6 =	simm.s32 $0x80;
	s11 =	sshrl.u32 s10, $0x1;
	_ =	swait.ge [sflag:s4], $0x80  }
0xa: {  	s9 =	sshll.u32 s9, $0x4;
	s31 =	ssub.s32 s10, s11;
	[sflag:s4] =	ssyncset.done $0x0  }
0xb: {  	s8 =	sadd.s32 s9, s8;
	s9 =	smax.u32 s31, $0x1;
	[sflag:s4] =	ssyncadd.s32 $0xFFFFFF80  }
0xc: {  	[tilespmem:s6], [sflag:$0x1] =	stream.indirect.gather [hbm4b:s2+s6], $0x80, s3, s6, $0xb8;
	[tilespmem:$0x4080] =	vst v63  }
0xd: {  	p0 =	sne.s32 s9, $0x1;
	_ =	swait.ge [sflag:s7], $0x4000  }
.Ltmp0:
0xe: {  	[sflag:s7] =	ssyncset.done $0x0;
	(pc) =	sbr.rel @!p0 .LBB2_2-.Ltmp0, $4  }
0xf: {  	s8 =	sadd.s32 $0x1200, s8;
	[sflag:s7] =	ssyncadd.s32 $0xFFFFC000  }
0x10: {  	[hbm4b:s8+s3] =	stream.linear.scatter [tilespmem:s6], [sflag:$0x2], $0x4000, $0x38;
	[tilespmem:$0x4080] =	vst v63  }
0x11: {  	_ =	swait.ge [sflag:s4], $0x4000  }
0x12: {  	s9 =	sadd.s32 $0xFFFFFFFF, s9;
	[sflag:s4] =	ssyncset.done $0x0  }
.LBB2_1:
0x13: {  	p0 =	sne.s32 s9, $0x1;
	s9 =	sadd.s32 $0xFFFFFFFF, s9;
	[sflag:s4] =	ssyncadd.s32 $0xFFFFC000  }
0x14: {  	[tilespmem:s3], [sflag:$0x2] =	stream.linear.gather [hbm4b:s5+s3], $0x80, $0x38;
	[tilespmem:$0x4080] =	vst v63  }
0x15: {  	_ =	swait.ge [sflag:s4], $0x80  }
0x16: {  	[sflag:s4] =	ssyncset.done $0x0  }
0x17: {  	[sflag:s4] =	ssyncadd.s32 $0xFFFFFF80  }
0x18: {  	[tilespmem:s6], [sflag:$0x1] =	stream.indirect.gather [hbm4b:s2+s6], $0x80, s3, s6, $0xb8;
	[tilespmem:$0x4080] =	vst v63  }
0x19: {  	_ =	swait.ge [sflag:s7], $0x4000  }
.Ltmp1:
0x1a: {  	[sflag:s7] =	ssyncset.done $0x0;
	(pc) =	sbr.rel @p0 .LBB2_1-.Ltmp1, $4  }
0x1b: {  	[sflag:s7] =	ssyncadd.s32 $0xFFFFC000  }
0x1c: {  	[hbm4b:s8+s3] =	stream.linear.scatter [tilespmem:s6], [sflag:$0x2], $0x4000, $0x38;
	[tilespmem:$0x4080] =	vst v63  }
0x1d: {  	_ =	swait.ge [sflag:s4], $0x4000  }
0x1e: {  	[sflag:s4] =	ssyncset.done $0x0  }
.LBB2_2:
0x1f: {  	[sflag:s4] =	ssyncadd.s32 $0xFFFFC000  }
0x20: {  	_ =	sfence.sel $0x180000  }
0x21: {  	[bflag:$0x0] =	sbarrier.arrive $0xFFFF  }
0x22: {  	p0 =	sne.s32 s0, $0x0;
	_ =	strace $0x90000047  }
0x23: {  	s0 =	sadd.s32 @!p0 $0x100000, s1;
	[bflag:$0x2] =	sbarrier.arrive $0xFFFF  }
0x24: {  	[sflag:s0] =	ssyncadd.tile.s32 @!p0 $0x1;
	_ =	shalt  }
.Lfunc_end2:
_tile_overlayer_lowered:
.L_overlay_start_2:
0x25: {  	(tag) =	ssettag $0x2  }
0x26: {  	s0 =	rddreg [dreg:$0x0];
	s2 =	stileid.u32  }
0x27: {  	s1 =	rddreg [dreg:$0x1];
	p0 =	sne.s32 s2, $0x0  }
0x28: {  	s3 =	rddreg [dreg:$0x2];
	[bflag:$0x3] =	sbarrier.arrive $0xFFFF;
	s2 =	simm.s32 @!p0 $0x1C02  }
0x29: {  	[timem:s3], [sflag:s2] =	dma.local @!p0 [hbm:s0], s1  }
0x2a: {  	s0 =	simm.s32 @!p0 $0x2  }
0x2b: {  	_ =	swait.ge @!p0 [sflag:s0], s1  }
0x2c: {  	s1 =	ssub.s32 @!p0 $0x0, s1;
	[sflag:s0] =	ssyncset.done @!p0 $0x0  }
0x2d: {  	[sflag:s0] =	ssyncadd.s32 @!p0 s1  }
0x2e: {  	[bflag:$0x3] =	sbarrier.arrive $0xFFFF  }
0x2f: {  	_ =	shalt  }

</sc_bundles>
